<compile_context>
chip_gen: v7x
topology: tpu7x:2x2x1
jax: 0.10.2.dev20260603
libtpu: 0.0.44.dev20260713+nightly
codegen_flags: <defaults>
</compile_context>

<pallas_src>
import functools

import jax
import jax.numpy as jnp
from jax import lax
from jax.experimental import pallas as pl
from jax.experimental.pallas import tpu as pltpu
from jax.experimental.pallas import tpu_sc as plsc

N = 10000
E = 320000
D_IN = 128
D_OUT = 128
H = 64
NC = 2
NS = 16
CHUNK = 128
CC = 112
NPAD = 10112
PAD_SPREAD = 48

A_CHUNKS = 80
A_PAD = 32 * A_CHUNKS * CHUNK - E
C_CHUNKS = 180
C_PAD = NS * C_CHUNKS * CC - E

ROWS_PER_TILE = NPAD // NS

_MESH = plsc.VectorSubcoreMesh(core_axis_name="c", subcore_axis_name="s")


def _zero_fill(buf, nrows, width):
    zv = jnp.zeros((16,), jnp.float32)

    def body(r, _):
        for j in range(width // 16):
            buf[r, pl.ds(j * 16, 16)] = zv
        return 0

    lax.fori_loop(0, nrows, body, 0)


def _zero_accum_slice(zbuf, bs, accum, base, nrows):
    full = nrows // bs
    for k in range(full):
        pltpu.sync_copy(zbuf, accum.at[pl.ds(base + k * bs, bs)])
    rem = nrows - full * bs
    if rem:
        pltpu.sync_copy(zbuf.at[pl.ds(0, rem)],
                        accum.at[pl.ds(base + full * bs, rem)])


@functools.partial(
    pl.kernel,
    mesh=_MESH,
    out_type=jax.ShapeDtypeStruct((NC * NPAD, 16), jnp.float32),
    scratch_types=[
        pltpu.VMEM_SHARED((NPAD, 16), jnp.float32),
        pltpu.VMEM((CHUNK, 16), jnp.float32),
        pltpu.VMEM((CHUNK, 16), jnp.float32),
        pltpu.VMEM((A_CHUNKS, CHUNK), jnp.int32),
        pltpu.SemaphoreType.DMA,
        pltpu.SemaphoreType.DMA,
    ],
    compiler_params=pltpu.CompilerParams(use_tc_tiling_on_sc=False),
)
def _deg_kernel(dsta_hbm, ones_hbm, degp_hbm,
                accum, ones_v, zero_v, idx_v, sem0, sem1):
    c = lax.axis_index("c")
    s = lax.axis_index("s")
    w = s * NC + c
    sems = (sem0, sem1)

    _zero_fill(zero_v, CHUNK, 16)
    _zero_accum_slice(zero_v, CHUNK, accum, s * ROWS_PER_TILE, ROWS_PER_TILE)
    pltpu.sync_copy(ones_hbm, ones_v)
    pltpu.sync_copy(dsta_hbm.at[pl.ds(w * A_CHUNKS, A_CHUNKS)], idx_v)
    plsc.subcore_barrier()

    for j in range(2):
        pltpu.async_copy(ones_v, accum.at[idx_v.at[j]], sems[j], add=True)

    def body(i, _):
        for p in range(2):
            j = 2 * i + p
            pltpu.make_async_copy(
                ones_v, accum.at[idx_v.at[j - 2]], sems[p]).wait()
            pltpu.async_copy(ones_v, accum.at[idx_v.at[j]], sems[p], add=True)
        return 0

    lax.fori_loop(1, A_CHUNKS // 2, body, 0)
    for p in range(2):
        pltpu.make_async_copy(
            ones_v, accum.at[idx_v.at[A_CHUNKS - 2 + p]], sems[p]).wait()
    plsc.subcore_barrier()

    lo = s * ROWS_PER_TILE
    pltpu.sync_copy(accum.at[pl.ds(lo, ROWS_PER_TILE)],
                    degp_hbm.at[pl.ds(c * NPAD + lo, ROWS_PER_TILE)])


_BLK = 2000


def _matmul_body(x_ref, w_ref, xw_ref):
    xw_ref[...] = jnp.dot(x_ref[...], w_ref[...],
                          preferred_element_type=jnp.float32)


def _matmul(x, w):
    grid = (N // _BLK,)
    return pl.pallas_call(
        _matmul_body,
        grid=grid,
        in_specs=[
            pl.BlockSpec((_BLK, D_IN), lambda i: (i, 0)),
            pl.BlockSpec((D_IN, D_OUT), lambda i: (0, 0)),
        ],
        out_specs=pl.BlockSpec((_BLK, D_OUT), lambda i: (i, 0)),
        out_shape=jax.ShapeDtypeStruct((N, D_OUT), jnp.float32),
    )(x, w)


def _scale_body(xw_ref, d_ref, y_ref):
    deg = d_ref[0, :, 0:1] + d_ref[1, :, 0:1]
    rdeg = lax.rsqrt(jnp.maximum(deg, 1.0))
    y = xw_ref[...] * rdeg
    y_ref[0, :, :] = y[:, :H]
    y_ref[1, :, :] = y[:, H:]


def _scale(xw, degp):
    grid = (N // _BLK,)
    return pl.pallas_call(
        _scale_body,
        grid=grid,
        in_specs=[
            pl.BlockSpec((_BLK, D_OUT), lambda i: (i, 0)),
            pl.BlockSpec((2, _BLK, 16), lambda i: (0, i, 0)),
        ],
        out_specs=pl.BlockSpec((2, _BLK, H), lambda i: (0, i, 0)),
        out_shape=jax.ShapeDtypeStruct((2, N, H), jnp.float32),
    )(xw, degp)


_NB = 3
_G = C_CHUNKS // _NB


@functools.partial(
    pl.kernel,
    mesh=_MESH,
    out_type=jax.ShapeDtypeStruct((NC * NPAD, H), jnp.float32),
    scratch_types=(
        [
            pltpu.VMEM_SHARED((NPAD, H), jnp.float32),
            pltpu.VMEM((C_CHUNKS, CC), jnp.int32),
            pltpu.VMEM((C_CHUNKS, CC), jnp.int32),
        ]
        + [pltpu.VMEM((CC, H), jnp.float32)] * (2 * _NB)
        + [pltpu.SemaphoreType.DMA] * (4 * _NB)
    ),
    compiler_params=pltpu.CompilerParams(use_tc_tiling_on_sc=False),
)
def _agg_kernel(y_hbm, srcs_hbm, dsts_hbm, out_hbm,
                accum, src_i, dst_i, *bufs):
    c = lax.axis_index("c")
    s = lax.axis_index("s")
    rows = (bufs[0:_NB], bufs[_NB:2 * _NB])
    gsem = (bufs[2 * _NB:3 * _NB], bufs[3 * _NB:4 * _NB])
    ssem = (bufs[4 * _NB:5 * _NB], bufs[5 * _NB:6 * _NB])

    _zero_fill(rows[0][0], CC, H)
    _zero_accum_slice(rows[0][0], CC, accum, s * ROWS_PER_TILE, ROWS_PER_TILE)
    pltpu.sync_copy(
        srcs_hbm.at[pl.ds((c * NS + s) * C_CHUNKS, C_CHUNKS)], src_i)
    pltpu.sync_copy(dsts_hbm.at[pl.ds(s * C_CHUNKS, C_CHUNKS)], dst_i)
    plsc.subcore_barrier()

    def gather(j, p, b):
        pltpu.async_copy(y_hbm.at[src_i.at[j]], rows[p][b], gsem[p][b])

    def gather_wait(j, p, b):
        pltpu.make_async_copy(y_hbm.at[src_i.at[j]], rows[p][b],
                              gsem[p][b]).wait()

    def scatter(j, p, b):
        pltpu.async_copy(rows[p][b], accum.at[dst_i.at[j]], ssem[p][b],
                         add=True)

    def scatter_wait(j, p, b):
        pltpu.make_async_copy(rows[p][b], accum.at[dst_i.at[j]],
                              ssem[p][b]).wait()

    for g0 in range(2):
        for b in range(_NB):
            gather(g0 * _NB + b, g0, b)
        for b in range(_NB):
            gather_wait(g0 * _NB + b, g0, b)
            scatter(g0 * _NB + b, g0, b)

    def body(i, _):
        for p in range(2):
            g = 2 * i + p
            j0 = g * _NB
            for b in range(_NB):
                scatter_wait(j0 + b - 2 * _NB, p, b)
                gather(j0 + b, p, b)
            for b in range(_NB):
                gather_wait(j0 + b, p, b)
                scatter(j0 + b, p, b)
        return 0

    lax.fori_loop(1, _G // 2, body, 0)
    for p in range(2):
        for b in range(_NB):
            scatter_wait((_G - 2 + p) * _NB + b, p, b)

    plsc.subcore_barrier()

    lo = s * ROWS_PER_TILE
    pltpu.sync_copy(accum.at[pl.ds(lo, ROWS_PER_TILE)],
                    out_hbm.at[pl.ds(c * NPAD + lo, ROWS_PER_TILE)])


def _finalize_body(o_ref, d_ref, out_ref):
    deg = d_ref[0, :, 0:1] + d_ref[1, :, 0:1]
    rdeg = lax.rsqrt(jnp.maximum(deg, 1.0))
    out_ref[...] = jnp.concatenate(
        [o_ref[0, :, :] * rdeg, o_ref[1, :, :] * rdeg], axis=1)


def _finalize(o, degp):
    grid = (N // _BLK,)
    return pl.pallas_call(
        _finalize_body,
        grid=grid,
        in_specs=[
            pl.BlockSpec((2, _BLK, H), lambda i: (0, i, 0)),
            pl.BlockSpec((2, _BLK, 16), lambda i: (0, i, 0)),
        ],
        out_specs=pl.BlockSpec((_BLK, D_OUT), lambda i: (i, 0)),
        out_shape=jax.ShapeDtypeStruct((N, D_OUT), jnp.float32),
    )(o, degp)


def kernel(X, edge_index, weight):
    src = edge_index[0]
    dst = edge_index[1]

    pad_a = N + (jnp.arange(A_PAD, dtype=jnp.int32) % PAD_SPREAD)
    dsta = jnp.concatenate([dst, pad_a]).reshape(32 * A_CHUNKS, CHUNK)

    pad_src = (jnp.arange(C_PAD, dtype=jnp.int32) * 977) % N
    pad_dst = N + (jnp.arange(C_PAD, dtype=jnp.int32) % PAD_SPREAD)
    srcc = jnp.concatenate([src, pad_src])
    srcs = jnp.concatenate([srcc, srcc + N]).reshape(2 * NS * C_CHUNKS, CC)
    dsts = jnp.concatenate([dst, pad_dst]).reshape(NS * C_CHUNKS, CC)

    ones = jnp.ones((CHUNK, 16), jnp.float32)

    xw = _matmul(X, weight)
    degp = _deg_kernel(dsta, ones).reshape(2, NPAD, 16)
    y = _scale(xw, degp)
    o = _agg_kernel(y.reshape(2 * N, H), srcs, dsts).reshape(2, NPAD, H)
    return _finalize(o, degp)

# --- scband reference (transcript-rebuilt; emitter-appended) ---
"""Pipeline reference for scband-gcnconv-18476949307690 (READ-ONLY COPY).

The authoritative reference and input builder live on the scoring server;
editing this copy changes nothing except your own understanding.
"""

import jax, jax.numpy as jnp
import numpy as np
import math

N_NODES = 10000
N_EDGES = 320000
D_IN = 128
D_OUT = 128


def setup_inputs(seed: int = 0) -> dict:
    key = jax.random.key(seed)
    k1, k2, k3 = jax.random.split(key, 3)
    X = jax.random.normal(k1, (N_NODES, D_IN), dtype=jnp.float32)
    edge_index = jax.random.randint(k2, (2, N_EDGES), 0, N_NODES, dtype=jnp.int32)
    stdv = 1.0 / math.sqrt(D_OUT)
    weight = jax.random.uniform(k3, (D_IN, D_OUT), dtype=jnp.float32, minval=-stdv, maxval=stdv)
    return {"X": X, "edge_index": edge_index, "weight": weight}


def reference(X, edge_index, weight):
    # GCNConv (GNNAdvisor-style): X' = A_norm @ (X @ W)
    # with symmetric degree normalization 1/sqrt(deg_src * deg_dst)
    src = edge_index[0]
    dst = edge_index[1]
    n = X.shape[0]
    # in-degree per node (clamped to >= 1, as GNNAdvisor does for its degrees array)
    deg = jnp.bincount(dst, length=n).astype(jnp.float32)
    deg = jnp.maximum(deg, 1.0)
    norm = jax.lax.rsqrt(deg[src] * deg[dst])  # [E]
    # neighbor aggregation step first applies the dense transform (GEMM),
    # then gathers transformed source features and scatter-adds into dst
    XW = X @ weight                                   # [N, D_OUT]
    msg = jnp.take(XW, src, axis=0) * norm[:, None]   # gather  [E, D_OUT]
    out = jax.ops.segment_sum(msg, dst, num_segments=n)  # scatter-add [N, D_OUT]
    return out

if __name__ == "__main__":
    import jax
    _d = setup_inputs()
    print(jax.jit(kernel)(*tuple(_d.values())))

</pallas_src>

<mosaic_0001>
#map = affine_map<(d0, d1) -> (0, 0)>
module attributes {stable_mosaic.version = 14 : i64} {
  func.func @_deg_kernel(%arg0: i32, %arg1: i32, %arg2: memref<2560x128xi32, #tpu.memory_space<hbm>>, %arg3: memref<128x16xf32, #tpu.memory_space<hbm>>, %arg4: memref<20224x16xf32, #tpu.memory_space<hbm>>, %arg5: memref<10112x16xf32, #tpu.memory_space<vmem_shared>>, %arg6: memref<128x16xf32, #tpu.memory_space<vmem>>, %arg7: memref<128x16xf32, #tpu.memory_space<vmem>>, %arg8: memref<80x128xi32, #tpu.memory_space<vmem>>, %arg9: memref<!tpu.dma_semaphore, #tpu.memory_space<semaphore_mem>>, %arg10: memref<!tpu.dma_semaphore, #tpu.memory_space<semaphore_mem>>) attributes {dimension_semantics = [#tpu.dimension_semantics<core_parallel>, #tpu.dimension_semantics<subcore_parallel>], iteration_bounds = array<i64: 2, 16>, scalar_prefetch = 0 : i64, scratch_operands = 6 : i64, tpu.core_type = #tpu.core_type<sc_vector_subcore>, window_params = [{transform_indices = #map}, {transform_indices = #map}, {transform_indices = #map}]} {
    %mul3A = arith.constant 2 : i32
    %mul3A_0 = arith.muli %arg1, %mul3A : i32
    %add3A = arith.addi %mul3A_0, %arg0 : i32
    %broadcast_in_dim3A = arith.constant 0.000000e+00 : f32
    %broadcast_in_dim3A_1 = vector.broadcast %broadcast_in_dim3A : f32 to vector<16xf32>
    %scan3A = arith.constant 0 : i32
    %scan3A_2 = arith.constant 0 : i32
    %scan3A_3 = arith.constant 128 : i32
    %scan3A_4 = arith.addi %scan3A_2, %scan3A_3 : i32
    %scan3A_5 = arith.constant 1 : i32
    %scan3A_6 = scf.for %scan3A_61 = %scan3A_2 to %scan3A_4 step %scan3A_5 iter_args(%scan3A_62 = %scan3A) -> (i32)  : i32 {
      %swap3A = arith.index_cast %scan3A_61 : i32 to index
      %swap3A_63 = arith.constant 0 : index
      %swap3A_64 = tpu.vector_load %arg7[%swap3A, %swap3A_63] {strides = array<i32>} : memref<128x16xf32, #tpu.memory_space<vmem>>, vector<1x16xf32>,
      %swap3A_65 = vector.shape_cast %swap3A_64 : vector<1x16xf32> to vector<16xf32>
      %swap3A_66 = vector.shape_cast %broadcast_in_dim3A_1 : vector<16xf32> to vector<1x16xf32>
      tpu.vector_store %arg7[%swap3A, %swap3A_63], %swap3A_66 {strides = array<i32>} : memref<128x16xf32, #tpu.memory_space<vmem>>, vector<1x16xf32>,
      %scan3A_67 = arith.constant 0 : i32
      scf.yield %scan3A_67 : i32
    }
    %scan3A_7 = arith.constant 128 : i32
    %mul3A_8 = arith.constant 632 : i32
    %mul3A_9 = arith.muli %arg1, %mul3A_8 : i32
    %add3A_10 = arith.constant 0 : i32
    %add3A_11 = arith.addi %mul3A_9, %add3A_10 : i32
    "tpu.region"() ({
      %run_scoped3A = tpu.sem_alloc : memref<!tpu.dma_semaphore, #tpu.memory_space<semaphore_mem>>
      %dma_start3A_61 = arith.constant 0 : i32
      %dma_start3A_62 = tpu.memref_slice %arg5[%add3A_11, %dma_start3A_61] : memref<10112x16xf32, #tpu.memory_space<vmem_shared>> -> memref<128x16xf32, #tpu.memory_space<vmem_shared>>
      %dma_start3A_63 = arith.constant 0 : i32
      %dma_start3A_64 = tpu.memref_slice %arg5[%add3A_11, %dma_start3A_63] : memref<10112x16xf32, #tpu.memory_space<vmem_shared>> -> memref<128x16xf32, #tpu.memory_space<vmem_shared>>
      tpu.enqueue_dma source(%arg7 : memref<128x16xf32, #tpu.memory_space<vmem>>) target(%dma_start3A_64 : memref<128x16xf32, #tpu.memory_space<vmem_shared>>) target_semaphore(%run_scoped3A : memref<!tpu.dma_semaphore, #tpu.memory_space<semaphore_mem>>)
      %dma_wait3A_65 = arith.constant 0 : i32
      %dma_wait3A_66 = tpu.memref_slice %arg5[%add3A_11, %dma_wait3A_65] : memref<10112x16xf32, #tpu.memory_space<vmem_shared>> -> memref<128x16xf32, #tpu.memory_space<vmem_shared>>
      %dma_wait3A_67 = arith.constant 0 : i32
      %dma_wait3A_68 = tpu.memref_slice %arg5[%add3A_11, %dma_wait3A_67] : memref<10112x16xf32, #tpu.memory_space<vmem_shared>> -> memref<128x16xf32, #tpu.memory_space<vmem_shared>>
      tpu.wait_dma2 semaphore(%run_scoped3A : memref<!tpu.dma_semaphore, #tpu.memory_space<semaphore_mem>>) src(%arg7 : memref<128x16xf32, #tpu.memory_space<vmem>>) dst(%dma_wait3A_68 : memref<128x16xf32, #tpu.memory_space<vmem_shared>>)
      tpu.yield
    }) : () -> ()
    %add3A_12 = arith.constant 128 : i32
    %add3A_13 = arith.addi %mul3A_9, %add3A_12 : i32
    "tpu.region"() ({
      %run_scoped3A = tpu.sem_alloc : memref<!tpu.dma_semaphore, #tpu.memory_space<semaphore_mem>>
      %dma_start3A_61 = arith.constant 0 : i32
      %dma_start3A_62 = tpu.memref_slice %arg5[%add3A_13, %dma_start3A_61] : memref<10112x16xf32, #tpu.memory_space<vmem_shared>> -> memref<128x16xf32, #tpu.memory_space<vmem_shared>>
      %dma_start3A_63 = arith.constant 0 : i32
      %dma_start3A_64 = tpu.memref_slice %arg5[%add3A_13, %dma_start3A_63] : memref<10112x16xf32, #tpu.memory_space<vmem_shared>> -> memref<128x16xf32, #tpu.memory_space<vmem_shared>>
      tpu.enqueue_dma source(%arg7 : memref<128x16xf32, #tpu.memory_space<vmem>>) target(%dma_start3A_64 : memref<128x16xf32, #tpu.memory_space<vmem_shared>>) target_semaphore(%run_scoped3A : memref<!tpu.dma_semaphore, #tpu.memory_space<semaphore_mem>>)
      %dma_wait3A_65 = arith.constant 0 : i32
      %dma_wait3A_66 = tpu.memref_slice %arg5[%add3A_13, %dma_wait3A_65] : memref<10112x16xf32, #tpu.memory_space<vmem_shared>> -> memref<128x16xf32, #tpu.memory_space<vmem_shared>>
      %dma_wait3A_67 = arith.constant 0 : i32
      %dma_wait3A_68 = tpu.memref_slice %arg5[%add3A_13, %dma_wait3A_67] : memref<10112x16xf32, #tpu.memory_space<vmem_shared>> -> memref<128x16xf32, #tpu.memory_space<vmem_shared>>
      tpu.wait_dma2 semaphore(%run_scoped3A : memref<!tpu.dma_semaphore, #tpu.memory_space<semaphore_mem>>) src(%arg7 : memref<128x16xf32, #tpu.memory_space<vmem>>) dst(%dma_wait3A_68 : memref<128x16xf32, #tpu.memory_space<vmem_shared>>)
      tpu.yield
    }) : () -> ()
    %add3A_14 = arith.constant 256 : i32
    %add3A_15 = arith.addi %mul3A_9, %add3A_14 : i32
    "tpu.region"() ({
      %run_scoped3A = tpu.sem_alloc : memref<!tpu.dma_semaphore, #tpu.memory_space<semaphore_mem>>
      %dma_start3A_61 = arith.constant 0 : i32
      %dma_start3A_62 = tpu.memref_slice %arg5[%add3A_15, %dma_start3A_61] : memref<10112x16xf32, #tpu.memory_space<vmem_shared>> -> memref<128x16xf32, #tpu.memory_space<vmem_shared>>
      %dma_start3A_63 = arith.constant 0 : i32
      %dma_start3A_64 = tpu.memref_slice %arg5[%add3A_15, %dma_start3A_63] : memref<10112x16xf32, #tpu.memory_space<vmem_shared>> -> memref<128x16xf32, #tpu.memory_space<vmem_shared>>
      tpu.enqueue_dma source(%arg7 : memref<128x16xf32, #tpu.memory_space<vmem>>) target(%dma_start3A_64 : memref<128x16xf32, #tpu.memory_space<vmem_shared>>) target_semaphore(%run_scoped3A : memref<!tpu.dma_semaphore, #tpu.memory_space<semaphore_mem>>)
      %dma_wait3A_65 = arith.constant 0 : i32
      %dma_wait3A_66 = tpu.memref_slice %arg5[%add3A_15, %dma_wait3A_65] : memref<10112x16xf32, #tpu.memory_space<vmem_shared>> -> memref<128x16xf32, #tpu.memory_space<vmem_shared>>
      %dma_wait3A_67 = arith.constant 0 : i32
      %dma_wait3A_68 = tpu.memref_slice %arg5[%add3A_15, %dma_wait3A_67] : memref<10112x16xf32, #tpu.memory_space<vmem_shared>> -> memref<128x16xf32, #tpu.memory_space<vmem_shared>>
      tpu.wait_dma2 semaphore(%run_scoped3A : memref<!tpu.dma_semaphore, #tpu.memory_space<semaphore_mem>>) src(%arg7 : memref<128x16xf32, #tpu.memory_space<vmem>>) dst(%dma_wait3A_68 : memref<128x16xf32, #tpu.memory_space<vmem_shared>>)
      tpu.yield
    }) : () -> ()
    %add3A_16 = arith.constant 384 : i32
    %add3A_17 = arith.addi %mul3A_9, %add3A_16 : i32
    "tpu.region"() ({
      %run_scoped3A = tpu.sem_alloc : memref<!tpu.dma_semaphore, #tpu.memory_space<semaphore_mem>>
      %dma_start3A_61 = arith.constant 0 : i32
      %dma_start3A_62 = tpu.memref_slice %arg5[%add3A_17, %dma_start3A_61] : memref<10112x16xf32, #tpu.memory_space<vmem_shared>> -> memref<128x16xf32, #tpu.memory_space<vmem_shared>>
      %dma_start3A_63 = arith.constant 0 : i32
      %dma_start3A_64 = tpu.memref_slice %arg5[%add3A_17, %dma_start3A_63] : memref<10112x16xf32, #tpu.memory_space<vmem_shared>> -> memref<128x16xf32, #tpu.memory_space<vmem_shared>>
      tpu.enqueue_dma source(%arg7 : memref<128x16xf32, #tpu.memory_space<vmem>>) target(%dma_start3A_64 : memref<128x16xf32, #tpu.memory_space<vmem_shared>>) target_semaphore(%run_scoped3A : memref<!tpu.dma_semaphore, #tpu.memory_space<semaphore_mem>>)
      %dma_wait3A_65 = arith.constant 0 : i32
      %dma_wait3A_66 = tpu.memref_slice %arg5[%add3A_17, %dma_wait3A_65] : memref<10112x16xf32, #tpu.memory_space<vmem_shared>> -> memref<128x16xf32, #tpu.memory_space<vmem_shared>>
      %dma_wait3A_67 = arith.constant 0 : i32
      %dma_wait3A_68 = tpu.memref_slice %arg5[%add3A_17, %dma_wait3A_67] : memref<10112x16xf32, #tpu.memory_space<vmem_shared>> -> memref<128x16xf32, #tpu.memory_space<vmem_shared>>
      tpu.wait_dma2 semaphore(%run_scoped3A : memref<!tpu.dma_semaphore, #tpu.memory_space<semaphore_mem>>) src(%arg7 : memref<128x16xf32, #tpu.memory_space<vmem>>) dst(%dma_wait3A_68 : memref<128x16xf32, #tpu.memory_space<vmem_shared>>)
      tpu.yield
    }) : () -> ()
    %add3A_18 = arith.constant 512 : i32
    %add3A_19 = arith.addi %mul3A_9, %add3A_18 : i32
    "tpu.region"() ({
      %run_scoped3A = tpu.sem_alloc : memref<!tpu.dma_semaphore, #tpu.memory_space<semaphore_mem>>
      %dma_start3A_61 = arith.constant 0 : i32
      %dma_start3A_62 = arith.constant 0 : i32
      %dma_start3A_63 = tpu.memref_slice %arg7[%dma_start3A_61, %dma_start3A_62] : memref<128x16xf32, #tpu.memory_space<vmem>> -> memref<120x16xf32, #tpu.memory_space<vmem>>
      %dma_start3A_64 = arith.constant 0 : i32
      %dma_start3A_65 = tpu.memref_slice %arg5[%add3A_19, %dma_start3A_64] : memref<10112x16xf32, #tpu.memory_space<vmem_shared>> -> memref<120x16xf32, #tpu.memory_space<vmem_shared>>
      %dma_start3A_66 = arith.constant 0 : i32
      %dma_start3A_67 = tpu.memref_slice %arg5[%add3A_19, %dma_start3A_66] : memref<10112x16xf32, #tpu.memory_space<vmem_shared>> -> memref<120x16xf32, #tpu.memory_space<vmem_shared>>
      %dma_start3A_68 = arith.constant 0 : i32
      %dma_start3A_69 = arith.constant 0 : i32
      %dma_start3A_70 = tpu.memref_slice %arg7[%dma_start3A_68, %dma_start3A_69] : memref<128x16xf32, #tpu.memory_space<vmem>> -> memref<120x16xf32, #tpu.memory_space<vmem>>
      tpu.enqueue_dma source(%dma_start3A_70 : memref<120x16xf32, #tpu.memory_space<vmem>>) target(%dma_start3A_67 : memref<120x16xf32, #tpu.memory_space<vmem_shared>>) target_semaphore(%run_scoped3A : memref<!tpu.dma_semaphore, #tpu.memory_space<semaphore_mem>>)
      %dma_wait3A_71 = arith.constant 0 : i32
      %dma_wait3A_72 = arith.constant 0 : i32
      %dma_wait3A_73 = tpu.memref_slice %arg7[%dma_wait3A_71, %dma_wait3A_72] : memref<128x16xf32, #tpu.memory_space<vmem>> -> memref<120x16xf32, #tpu.memory_space<vmem>>
      %dma_wait3A_74 = arith.constant 0 : i32
      %dma_wait3A_75 = tpu.memref_slice %arg5[%add3A_19, %dma_wait3A_74] : memref<10112x16xf32, #tpu.memory_space<vmem_shared>> -> memref<120x16xf32, #tpu.memory_space<vmem_shared>>
      %dma_wait3A_76 = arith.constant 0 : i32
      %dma_wait3A_77 = tpu.memref_slice %arg5[%add3A_19, %dma_wait3A_76] : memref<10112x16xf32, #tpu.memory_space<vmem_shared>> -> memref<120x16xf32, #tpu.memory_space<vmem_shared>>
      %dma_wait3A_78 = arith.constant 0 : i32
      %dma_wait3A_79 = arith.constant 0 : i32
      %dma_wait3A_80 = tpu.memref_slice %arg7[%dma_wait3A_78, %dma_wait3A_79] : memref<128x16xf32, #tpu.memory_space<vmem>> -> memref<120x16xf32, #tpu.memory_space<vmem>>
      tpu.wait_dma2 semaphore(%run_scoped3A : memref<!tpu.dma_semaphore, #tpu.memory_space<semaphore_mem>>) src(%dma_wait3A_80 : memref<120x16xf32, #tpu.memory_space<vmem>>) dst(%dma_wait3A_77 : memref<120x16xf32, #tpu.memory_space<vmem_shared>>)
      tpu.yield
    }) : () -> ()
    "tpu.region"() ({
      %run_scoped3A = tpu.sem_alloc : memref<!tpu.dma_semaphore, #tpu.memory_space<semaphore_mem>>
      tpu.enqueue_dma source(%arg3 : memref<128x16xf32, #tpu.memory_space<hbm>>) target(%arg6 : memref<128x16xf32, #tpu.memory_space<vmem>>) target_semaphore(%run_scoped3A : memref<!tpu.dma_semaphore, #tpu.memory_space<semaphore_mem>>)
      tpu.wait_dma2 semaphore(%run_scoped3A : memref<!tpu.dma_semaphore, #tpu.memory_space<semaphore_mem>>) src(%arg3 : memref<128x16xf32, #tpu.memory_space<hbm>>) dst(%arg6 : memref<128x16xf32, #tpu.memory_space<vmem>>)
      tpu.yield
    }) : () -> ()
    %mul3A_20 = arith.constant 80 : i32
    %mul3A_21 = arith.muli %add3A, %mul3A_20 : i32
    "tpu.region"() ({
      %run_scoped3A = tpu.sem_alloc : memref<!tpu.dma_semaphore, #tpu.memory_space<semaphore_mem>>
      %dma_start3A_61 = arith.constant 0 : i32
      %dma_start3A_62 = tpu.memref_slice %arg2[%mul3A_21, %dma_start3A_61] : memref<2560x128xi32, #tpu.memory_space<hbm>> -> memref<80x128xi32, #tpu.memory_space<hbm>>
      %dma_start3A_63 = arith.constant 0 : i32
      %dma_start3A_64 = tpu.memref_slice %arg2[%mul3A_21, %dma_start3A_63] : memref<2560x128xi32, #tpu.memory_space<hbm>> -> memref<80x128xi32, #tpu.memory_space<hbm>>
      tpu.enqueue_dma source(%dma_start3A_64 : memref<80x128xi32, #tpu.memory_space<hbm>>) target(%arg8 : memref<80x128xi32, #tpu.memory_space<vmem>>) target_semaphore(%run_scoped3A : memref<!tpu.dma_semaphore, #tpu.memory_space<semaphore_mem>>)
      %dma_wait3A_65 = arith.constant 0 : i32
      %dma_wait3A_66 = tpu.memref_slice %arg2[%mul3A_21, %dma_wait3A_65] : memref<2560x128xi32, #tpu.memory_space<hbm>> -> memref<80x128xi32, #tpu.memory_space<hbm>>
      %dma_wait3A_67 = arith.constant 0 : i32
      %dma_wait3A_68 = tpu.memref_slice %arg2[%mul3A_21, %dma_wait3A_67] : memref<2560x128xi32, #tpu.memory_space<hbm>> -> memref<80x128xi32, #tpu.memory_space<hbm>>
      tpu.wait_dma2 semaphore(%run_scoped3A : memref<!tpu.dma_semaphore, #tpu.memory_space<semaphore_mem>>) src(%dma_wait3A_68 : memref<80x128xi32, #tpu.memory_space<hbm>>) dst(%arg8 : memref<80x128xi32, #tpu.memory_space<vmem>>)
      tpu.yield
    }) : () -> ()
    %barrier3A = arith.constant 0 : index
    tpu.barrier barrier_id(%barrier3A)
    %dma_start3A = arith.constant 0 : i32
    %dma_start3A_22 = arith.constant 0 : i32
    %dma_start3A_23 = tpu.memref_slice %arg8[%dma_start3A, %dma_start3A_22] : memref<80x128xi32, #tpu.memory_space<vmem>> -> memref<1x128xi32, #tpu.memory_space<vmem>>
    %dma_start3A_24 = tpu.memref_squeeze %dma_start3A_23 : memref<1x128xi32, #tpu.memory_space<vmem>> -> memref<128xi32, #tpu.memory_space<vmem>>
    %dma_start3A_25 = arith.constant 0 : i32
    %dma_start3A_26 = arith.constant 0 : i32
    %dma_start3A_27 = tpu.memref_slice %arg5[%dma_start3A_25, %dma_start3A_26] : memref<10112x16xf32, #tpu.memory_space<vmem_shared>> -> memref<10112x16xf32, #tpu.memory_space<vmem_shared>>
    tpu.enqueue_indirect_dma source(%arg6 : memref<128x16xf32, #tpu.memory_space<vmem>>) target(%dma_start3A_27 : memref<10112x16xf32, #tpu.memory_space<vmem_shared>>) offsets(%dma_start3A_24 : memref<128xi32, #tpu.memory_space<vmem>>) semaphore(%arg9 : memref<!tpu.dma_semaphore, #tpu.memory_space<semaphore_mem>>) {add = true}
    %dma_start3A_28 = arith.constant 1 : i32
    %dma_start3A_29 = arith.constant 0 : i32
    %dma_start3A_30 = tpu.memref_slice %arg8[%dma_start3A_28, %dma_start3A_29] : memref<80x128xi32, #tpu.memory_space<vmem>> -> memref<1x128xi32, #tpu.memory_space<vmem>>
    %dma_start3A_31 = tpu.memref_squeeze %dma_start3A_30 : memref<1x128xi32, #tpu.memory_space<vmem>> -> memref<128xi32, #tpu.memory_space<vmem>>
    %dma_start3A_32 = arith.constant 0 : i32
    %dma_start3A_33 = arith.constant 0 : i32
    %dma_start3A_34 = tpu.memref_slice %arg5[%dma_start3A_32, %dma_start3A_33] : memref<10112x16xf32, #tpu.memory_space<vmem_shared>> -> memref<10112x16xf32, #tpu.memory_space<vmem_shared>>
    tpu.enqueue_indirect_dma source(%arg6 : memref<128x16xf32, #tpu.memory_space<vmem>>) target(%dma_start3A_34 : memref<10112x16xf32, #tpu.memory_space<vmem_shared>>) offsets(%dma_start3A_31 : memref<128xi32, #tpu.memory_space<vmem>>) semaphore(%arg10 : memref<!tpu.dma_semaphore, #tpu.memory_space<semaphore_mem>>) {add = true}
    %scan3A_35 = arith.constant 0 : i32
    %scan3A_36 = arith.constant 1 : i32
    %scan3A_37 = arith.constant 39 : i32
    %scan3A_38 = arith.addi %scan3A_36, %scan3A_37 : i32
    %scan3A_39 = arith.constant 1 : i32
    %scan3A_40 = scf.for %scan3A_61 = %scan3A_36 to %scan3A_38 step %scan3A_39 iter_args(%scan3A_62 = %scan3A_35) -> (i32)  : i32 {
      %mul3A_63 = arith.constant 2 : i32
      %mul3A_64 = arith.muli %mul3A_63, %scan3A_61 : i32
      %add3A_65 = arith.constant 0 : i32
      %add3A_66 = arith.addi %mul3A_64, %add3A_65 : i32
      %sub3A = arith.constant 2 : i32
      %sub3A_67 = arith.subi %add3A_66, %sub3A : i32
      %dma_wait3A_68 = arith.constant 0 : i32
      %dma_wait3A_69 = tpu.memref_slice %arg8[%sub3A_67, %dma_wait3A_68] : memref<80x128xi32, #tpu.memory_space<vmem>> -> memref<1x128xi32, #tpu.memory_space<vmem>>
      %dma_wait3A_70 = tpu.memref_squeeze %dma_wait3A_69 : memref<1x128xi32, #tpu.memory_space<vmem>> -> memref<128xi32, #tpu.memory_space<vmem>>
      %dma_wait3A_71 = arith.constant 0 : i32
      %dma_wait3A_72 = arith.constant 0 : i32
      %dma_wait3A_73 = tpu.memref_slice %arg5[%dma_wait3A_71, %dma_wait3A_72] : memref<10112x16xf32, #tpu.memory_space<vmem_shared>> -> memref<10112x16xf32, #tpu.memory_space<vmem_shared>>
      tpu.wait_indirect_dma semaphore(%arg9 : memref<!tpu.dma_semaphore, #tpu.memory_space<semaphore_mem>>) src(%arg6 : memref<128x16xf32, #tpu.memory_space<vmem>>) dst(%dma_wait3A_73 : memref<10112x16xf32, #tpu.memory_space<vmem_shared>>)
      %dma_start3A_74 = arith.constant 0 : i32
      %dma_start3A_75 = tpu.memref_slice %arg8[%add3A_66, %dma_start3A_74] : memref<80x128xi32, #tpu.memory_space<vmem>> -> memref<1x128xi32, #tpu.memory_space<vmem>>
      %dma_start3A_76 = tpu.memref_squeeze %dma_start3A_75 : memref<1x128xi32, #tpu.memory_space<vmem>> -> memref<128xi32, #tpu.memory_space<vmem>>
      %dma_start3A_77 = arith.constant 0 : i32
      %dma_start3A_78 = arith.constant 0 : i32
      %dma_start3A_79 = tpu.memref_slice %arg5[%dma_start3A_77, %dma_start3A_78] : memref<10112x16xf32, #tpu.memory_space<vmem_shared>> -> memref<10112x16xf32, #tpu.memory_space<vmem_shared>>
      tpu.enqueue_indirect_dma source(%arg6 : memref<128x16xf32, #tpu.memory_space<vmem>>) target(%dma_start3A_79 : memref<10112x16xf32, #tpu.memory_space<vmem_shared>>) offsets(%dma_start3A_76 : memref<128xi32, #tpu.memory_space<vmem>>) semaphore(%arg9 : memref<!tpu.dma_semaphore, #tpu.memory_space<semaphore_mem>>) {add = true}
      %mul3A_80 = arith.constant 2 : i32
      %mul3A_81 = arith.muli %mul3A_80, %scan3A_61 : i32
      %add3A_82 = arith.constant 1 : i32
      %add3A_83 = arith.addi %mul3A_81, %add3A_82 : i32
      %sub3A_84 = arith.constant 2 : i32
      %sub3A_85 = arith.subi %add3A_83, %sub3A_84 : i32
      %dma_wait3A_86 = arith.constant 0 : i32
      %dma_wait3A_87 = tpu.memref_slice %arg8[%sub3A_85, %dma_wait3A_86] : memref<80x128xi32, #tpu.memory_space<vmem>> -> memref<1x128xi32, #tpu.memory_space<vmem>>
      %dma_wait3A_88 = tpu.memref_squeeze %dma_wait3A_87 : memref<1x128xi32, #tpu.memory_space<vmem>> -> memref<128xi32, #tpu.memory_space<vmem>>
      %dma_wait3A_89 = arith.constant 0 : i32
      %dma_wait3A_90 = arith.constant 0 : i32
      %dma_wait3A_91 = tpu.memref_slice %arg5[%dma_wait3A_89, %dma_wait3A_90] : memref<10112x16xf32, #tpu.memory_space<vmem_shared>> -> memref<10112x16xf32, #tpu.memory_space<vmem_shared>>
      tpu.wait_indirect_dma semaphore(%arg10 : memref<!tpu.dma_semaphore, #tpu.memory_space<semaphore_mem>>) src(%arg6 : memref<128x16xf32, #tpu.memory_space<vmem>>) dst(%dma_wait3A_91 : memref<10112x16xf32, #tpu.memory_space<vmem_shared>>)
      %dma_start3A_92 = arith.constant 0 : i32
      %dma_start3A_93 = tpu.memref_slice %arg8[%add3A_83, %dma_start3A_92] : memref<80x128xi32, #tpu.memory_space<vmem>> -> memref<1x128xi32, #tpu.memory_space<vmem>>
      %dma_start3A_94 = tpu.memref_squeeze %dma_start3A_93 : memref<1x128xi32, #tpu.memory_space<vmem>> -> memref<128xi32, #tpu.memory_space<vmem>>
      %dma_start3A_95 = arith.constant 0 : i32
      %dma_start3A_96 = arith.constant 0 : i32
      %dma_start3A_97 = tpu.memref_slice %arg5[%dma_start3A_95, %dma_start3A_96] : memref<10112x16xf32, #tpu.memory_space<vmem_shared>> -> memref<10112x16xf32, #tpu.memory_space<vmem_shared>>
      tpu.enqueue_indirect_dma source(%arg6 : memref<128x16xf32, #tpu.memory_space<vmem>>) target(%dma_start3A_97 : memref<10112x16xf32, #tpu.memory_space<vmem_shared>>) offsets(%dma_start3A_94 : memref<128xi32, #tpu.memory_space<vmem>>) semaphore(%arg10 : memref<!tpu.dma_semaphore, #tpu.memory_space<semaphore_mem>>) {add = true}
      %scan3A_98 = arith.constant 0 : i32
      scf.yield %scan3A_98 : i32
    }
    %scan3A_41 = arith.constant 39 : i32
    %dma_wait3A = arith.constant 78 : i32
    %dma_wait3A_42 = arith.constant 0 : i32
    %dma_wait3A_43 = tpu.memref_slice %arg8[%dma_wait3A, %dma_wait3A_42] : memref<80x128xi32, #tpu.memory_space<vmem>> -> memref<1x128xi32, #tpu.memory_space<vmem>>
    %dma_wait3A_44 = tpu.memref_squeeze %dma_wait3A_43 : memref<1x128xi32, #tpu.memory_space<vmem>> -> memref<128xi32, #tpu.memory_space<vmem>>
    %dma_wait3A_45 = arith.constant 0 : i32
    %dma_wait3A_46 = arith.constant 0 : i32
    %dma_wait3A_47 = tpu.memref_slice %arg5[%dma_wait3A_45, %dma_wait3A_46] : memref<10112x16xf32, #tpu.memory_space<vmem_shared>> -> memref<10112x16xf32, #tpu.memory_space<vmem_shared>>
    tpu.wait_indirect_dma semaphore(%arg9 : memref<!tpu.dma_semaphore, #tpu.memory_space<semaphore_mem>>) src(%arg6 : memref<128x16xf32, #tpu.memory_space<vmem>>) dst(%dma_wait3A_47 : memref<10112x16xf32, #tpu.memory_space<vmem_shared>>)
    %dma_wait3A_48 = arith.constant 79 : i32
    %dma_wait3A_49 = arith.constant 0 : i32
    %dma_wait3A_50 = tpu.memref_slice %arg8[%dma_wait3A_48, %dma_wait3A_49] : memref<80x128xi32, #tpu.memory_space<vmem>> -> memref<1x128xi32, #tpu.memory_space<vmem>>
    %dma_wait3A_51 = tpu.memref_squeeze %dma_wait3A_50 : memref<1x128xi32, #tpu.memory_space<vmem>> -> memref<128xi32, #tpu.memory_space<vmem>>
    %dma_wait3A_52 = arith.constant 0 : i32
    %dma_wait3A_53 = arith.constant 0 : i32
    %dma_wait3A_54 = tpu.memref_slice %arg5[%dma_wait3A_52, %dma_wait3A_53] : memref<10112x16xf32, #tpu.memory_space<vmem_shared>> -> memref<10112x16xf32, #tpu.memory_space<vmem_shared>>
    tpu.wait_indirect_dma semaphore(%arg10 : memref<!tpu.dma_semaphore, #tpu.memory_space<semaphore_mem>>) src(%arg6 : memref<128x16xf32, #tpu.memory_space<vmem>>) dst(%dma_wait3A_54 : memref<10112x16xf32, #tpu.memory_space<vmem_shared>>)
    %barrier3A_55 = arith.constant 0 : index
    tpu.barrier barrier_id(%barrier3A_55)
    %mul3A_56 = arith.constant 632 : i32
    %mul3A_57 = arith.muli %arg1, %mul3A_56 : i32
    %mul3A_58 = arith.constant 10112 : i32
    %mul3A_59 = arith.muli %arg0, %mul3A_58 : i32
    %add3A_60 = arith.addi %mul3A_59, %mul3A_57 : i32
    "tpu.region"() ({
      %run_scoped3A = tpu.sem_alloc : memref<!tpu.dma_semaphore, #tpu.memory_space<semaphore_mem>>
      %dma_start3A_61 = arith.constant 0 : i32
      %dma_start3A_62 = tpu.memref_slice %arg4[%add3A_60, %dma_start3A_61] : memref<20224x16xf32, #tpu.memory_space<hbm>> -> memref<632x16xf32, #tpu.memory_space<hbm>>
      %dma_start3A_63 = arith.constant 0 : i32
      %dma_start3A_64 = tpu.memref_slice %arg5[%mul3A_57, %dma_start3A_63] : memref<10112x16xf32, #tpu.memory_space<vmem_shared>> -> memref<632x16xf32, #tpu.memory_space<vmem_shared>>
      tpu.enqueue_dma source(%dma_start3A_64 : memref<632x16xf32, #tpu.memory_space<vmem_shared>>) target(%dma_start3A_62 : memref<632x16xf32, #tpu.memory_space<hbm>>) target_semaphore(%run_scoped3A : memref<!tpu.dma_semaphore, #tpu.memory_space<semaphore_mem>>)
      %dma_wait3A_65 = arith.constant 0 : i32
      %dma_wait3A_66 = tpu.memref_slice %arg4[%add3A_60, %dma_wait3A_65] : memref<20224x16xf32, #tpu.memory_space<hbm>> -> memref<632x16xf32, #tpu.memory_space<hbm>>
      %dma_wait3A_67 = arith.constant 0 : i32
      %dma_wait3A_68 = tpu.memref_slice %arg5[%mul3A_57, %dma_wait3A_67] : memref<10112x16xf32, #tpu.memory_space<vmem_shared>> -> memref<632x16xf32, #tpu.memory_space<vmem_shared>>
      tpu.wait_dma2 semaphore(%run_scoped3A : memref<!tpu.dma_semaphore, #tpu.memory_space<semaphore_mem>>) src(%dma_wait3A_68 : memref<632x16xf32, #tpu.memory_space<vmem_shared>>) dst(%dma_wait3A_66 : memref<632x16xf32, #tpu.memory_space<hbm>>)
      tpu.yield
    }) : () -> ()
    return
  }
}

#map = affine_map<(d0, d1) -> (0, 0)>
module attributes {stable_mosaic.version = 14 : i64} {
  func.func @_agg_kernel(%arg0: i32, %arg1: i32, %arg2: memref<20000x64xf32, #tpu.memory_space<hbm>>, %arg3: memref<5760x112xi32, #tpu.memory_space<hbm>>, %arg4: memref<2880x112xi32, #tpu.memory_space<hbm>>, %arg5: memref<20224x64xf32, #tpu.memory_space<hbm>>, %arg6: memref<10112x64xf32, #tpu.memory_space<vmem_shared>>, %arg7: memref<180x112xi32, #tpu.memory_space<vmem>>, %arg8: memref<180x112xi32, #tpu.memory_space<vmem>>, %arg9: memref<112x64xf32, #tpu.memory_space<vmem>>, %arg10: memref<112x64xf32, #tpu.memory_space<vmem>>, %arg11: memref<112x64xf32, #tpu.memory_space<vmem>>, %arg12: memref<112x64xf32, #tpu.memory_space<vmem>>, %arg13: memref<112x64xf32, #tpu.memory_space<vmem>>, %arg14: memref<112x64xf32, #tpu.memory_space<vmem>>, %arg15: memref<!tpu.dma_semaphore, #tpu.memory_space<semaphore_mem>>, %arg16: memref<!tpu.dma_semaphore, #tpu.memory_space<semaphore_mem>>, %arg17: memref<!tpu.dma_semaphore, #tpu.memory_space<semaphore_mem>>, %arg18: memref<!tpu.dma_semaphore, #tpu.memory_space<semaphore_mem>>, %arg19: memref<!tpu.dma_semaphore, #tpu.memory_space<semaphore_mem>>, %arg20: memref<!tpu.dma_semaphore, #tpu.memory_space<semaphore_mem>>, %arg21: memref<!tpu.dma_semaphore, #tpu.memory_space<semaphore_mem>>, %arg22: memref<!tpu.dma_semaphore, #tpu.memory_space<semaphore_mem>>, %arg23: memref<!tpu.dma_semaphore, #tpu.memory_space<semaphore_mem>>, %arg24: memref<!tpu.dma_semaphore, #tpu.memory_space<semaphore_mem>>, %arg25: memref<!tpu.dma_semaphore, #tpu.memory_space<semaphore_mem>>, %arg26: memref<!tpu.dma_semaphore, #tpu.memory_space<semaphore_mem>>) attributes {dimension_semantics = [#tpu.dimension_semantics<core_parallel>, #tpu.dimension_semantics<subcore_parallel>], iteration_bounds = array<i64: 2, 16>, scalar_prefetch = 0 : i64, scratch_operands = 21 : i64, tpu.core_type = #tpu.core_type<sc_vector_subcore>, window_params = [{transform_indices = #map}, {transform_indices = #map}, {transform_indices = #map}, {transform_indices = #map}]} {
    %broadcast_in_dim3A = arith.constant 0.000000e+00 : f32
    %broadcast_in_dim3A_0 = vector.broadcast %broadcast_in_dim3A : f32 to vector<16xf32>
    %scan3A = arith.constant 0 : i32
    %scan3A_1 = arith.constant 0 : i32
    %scan3A_2 = arith.constant 112 : i32
    %scan3A_3 = arith.addi %scan3A_1, %scan3A_2 : i32
    %scan3A_4 = arith.constant 1 : i32
    %scan3A_5 = scf.for %scan3A_205 = %scan3A_1 to %scan3A_3 step %scan3A_4 iter_args(%scan3A_206 = %scan3A) -> (i32)  : i32 {
      %swap3A = arith.index_cast %scan3A_205 : i32 to index
      %swap3A_207 = arith.constant 0 : index
      %swap3A_208 = tpu.vector_load %arg9[%swap3A, %swap3A_207] {strides = array<i32>} : memref<112x64xf32, #tpu.memory_space<vmem>>, vector<1x16xf32>,
      %swap3A_209 = vector.shape_cast %swap3A_208 : vector<1x16xf32> to vector<16xf32>
      %swap3A_210 = vector.shape_cast %broadcast_in_dim3A_0 : vector<16xf32> to vector<1x16xf32>
      tpu.vector_store %arg9[%swap3A, %swap3A_207], %swap3A_210 {strides = array<i32>} : memref<112x64xf32, #tpu.memory_space<vmem>>, vector<1x16xf32>,
      %swap3A_211 = arith.index_cast %scan3A_205 : i32 to index
      %swap3A_212 = arith.constant 16 : index
      %swap3A_213 = tpu.vector_load %arg9[%swap3A_211, %swap3A_212] {strides = array<i32>} : memref<112x64xf32, #tpu.memory_space<vmem>>, vector<1x16xf32>,
      %swap3A_214 = vector.shape_cast %swap3A_213 : vector<1x16xf32> to vector<16xf32>
      %swap3A_215 = vector.shape_cast %broadcast_in_dim3A_0 : vector<16xf32> to vector<1x16xf32>
      tpu.vector_store %arg9[%swap3A_211, %swap3A_212], %swap3A_215 {strides = array<i32>} : memref<112x64xf32, #tpu.memory_space<vmem>>, vector<1x16xf32>,
      %swap3A_216 = arith.index_cast %scan3A_205 : i32 to index
      %swap3A_217 = arith.constant 32 : index
      %swap3A_218 = tpu.vector_load %arg9[%swap3A_216, %swap3A_217] {strides = array<i32>} : memref<112x64xf32, #tpu.memory_space<vmem>>, vector<1x16xf32>,
      %swap3A_219 = vector.shape_cast %swap3A_218 : vector<1x16xf32> to vector<16xf32>
      %swap3A_220 = vector.shape_cast %broadcast_in_dim3A_0 : vector<16xf32> to vector<1x16xf32>
      tpu.vector_store %arg9[%swap3A_216, %swap3A_217], %swap3A_220 {strides = array<i32>} : memref<112x64xf32, #tpu.memory_space<vmem>>, vector<1x16xf32>,
      %swap3A_221 = arith.index_cast %scan3A_205 : i32 to index
      %swap3A_222 = arith.constant 48 : index
      %swap3A_223 = tpu.vector_load %arg9[%swap3A_221, %swap3A_222] {strides = array<i32>} : memref<112x64xf32, #tpu.memory_space<vmem>>, vector<1x16xf32>,
      %swap3A_224 = vector.shape_cast %swap3A_223 : vector<1x16xf32> to vector<16xf32>
      %swap3A_225 = vector.shape_cast %broadcast_in_dim3A_0 : vector<16xf32> to vector<1x16xf32>
      tpu.vector_store %arg9[%swap3A_221, %swap3A_222], %swap3A_225 {strides = array<i32>} : memref<112x64xf32, #tpu.memory_space<vmem>>, vector<1x16xf32>,
      %scan3A_226 = arith.constant 0 : i32
      scf.yield %scan3A_226 : i32
    }
    %scan3A_6 = arith.constant 112 : i32
    %mul3A = arith.constant 632 : i32
    %mul3A_7 = arith.muli %arg1, %mul3A : i32
    %add3A = arith.constant 0 : i32
    %add3A_8 = arith.addi %mul3A_7, %add3A : i32
    "tpu.region"() ({
      %run_scoped3A = tpu.sem_alloc : memref<!tpu.dma_semaphore, #tpu.memory_space<semaphore_mem>>
      %dma_start3A_205 = arith.constant 0 : i32
      %dma_start3A_206 = tpu.memref_slice %arg6[%add3A_8, %dma_start3A_205] : memref<10112x64xf32, #tpu.memory_space<vmem_shared>> -> memref<112x64xf32, #tpu.memory_space<vmem_shared>>
      %dma_start3A_207 = arith.constant 0 : i32
      %dma_start3A_208 = tpu.memref_slice %arg6[%add3A_8, %dma_start3A_207] : memref<10112x64xf32, #tpu.memory_space<vmem_shared>> -> memref<112x64xf32, #tpu.memory_space<vmem_shared>>
      tpu.enqueue_dma source(%arg9 : memref<112x64xf32, #tpu.memory_space<vmem>>) target(%dma_start3A_208 : memref<112x64xf32, #tpu.memory_space<vmem_shared>>) target_semaphore(%run_scoped3A : memref<!tpu.dma_semaphore, #tpu.memory_space<semaphore_mem>>)
      %dma_wait3A_209 = arith.constant 0 : i32
      %dma_wait3A_210 = tpu.memref_slice %arg6[%add3A_8, %dma_wait3A_209] : memref<10112x64xf32, #tpu.memory_space<vmem_shared>> -> memref<112x64xf32, #tpu.memory_space<vmem_shared>>
      %dma_wait3A_211 = arith.constant 0 : i32
      %dma_wait3A_212 = tpu.memref_slice %arg6[%add3A_8, %dma_wait3A_211] : memref<10112x64xf32, #tpu.memory_space<vmem_shared>> -> memref<112x64xf32, #tpu.memory_space<vmem_shared>>
      tpu.wait_dma2 semaphore(%run_scoped3A : memref<!tpu.dma_semaphore, #tpu.memory_space<semaphore_mem>>) src(%arg9 : memref<112x64xf32, #tpu.memory_space<vmem>>) dst(%dma_wait3A_212 : memref<112x64xf32, #tpu.memory_space<vmem_shared>>)
      tpu.yield
    }) : () -> ()
    %add3A_9 = arith.constant 112 : i32
    %add3A_10 = arith.addi %mul3A_7, %add3A_9 : i32
    "tpu.region"() ({
      %run_scoped3A = tpu.sem_alloc : memref<!tpu.dma_semaphore, #tpu.memory_space<semaphore_mem>>
      %dma_start3A_205 = arith.constant 0 : i32
      %dma_start3A_206 = tpu.memref_slice %arg6[%add3A_10, %dma_start3A_205] : memref<10112x64xf32, #tpu.memory_space<vmem_shared>> -> memref<112x64xf32, #tpu.memory_space<vmem_shared>>
      %dma_start3A_207 = arith.constant 0 : i32
      %dma_start3A_208 = tpu.memref_slice %arg6[%add3A_10, %dma_start3A_207] : memref<10112x64xf32, #tpu.memory_space<vmem_shared>> -> memref<112x64xf32, #tpu.memory_space<vmem_shared>>
      tpu.enqueue_dma source(%arg9 : memref<112x64xf32, #tpu.memory_space<vmem>>) target(%dma_start3A_208 : memref<112x64xf32, #tpu.memory_space<vmem_shared>>) target_semaphore(%run_scoped3A : memref<!tpu.dma_semaphore, #tpu.memory_space<semaphore_mem>>)
      %dma_wait3A_209 = arith.constant 0 : i32
      %dma_wait3A_210 = tpu.memref_slice %arg6[%add3A_10, %dma_wait3A_209] : memref<10112x64xf32, #tpu.memory_space<vmem_shared>> -> memref<112x64xf32, #tpu.memory_space<vmem_shared>>
      %dma_wait3A_211 = arith.constant 0 : i32
      %dma_wait3A_212 = tpu.memref_slice %arg6[%add3A_10, %dma_wait3A_211] : memref<10112x64xf32, #tpu.memory_space<vmem_shared>> -> memref<112x64xf32, #tpu.memory_space<vmem_shared>>
      tpu.wait_dma2 semaphore(%run_scoped3A : memref<!tpu.dma_semaphore, #tpu.memory_space<semaphore_mem>>) src(%arg9 : memref<112x64xf32, #tpu.memory_space<vmem>>) dst(%dma_wait3A_212 : memref<112x64xf32, #tpu.memory_space<vmem_shared>>)
      tpu.yield
    }) : () -> ()
    %add3A_11 = arith.constant 224 : i32
    %add3A_12 = arith.addi %mul3A_7, %add3A_11 : i32
    "tpu.region"() ({
      %run_scoped3A = tpu.sem_alloc : memref<!tpu.dma_semaphore, #tpu.memory_space<semaphore_mem>>
      %dma_start3A_205 = arith.constant 0 : i32
      %dma_start3A_206 = tpu.memref_slice %arg6[%add3A_12, %dma_start3A_205] : memref<10112x64xf32, #tpu.memory_space<vmem_shared>> -> memref<112x64xf32, #tpu.memory_space<vmem_shared>>
      %dma_start3A_207 = arith.constant 0 : i32
      %dma_start3A_208 = tpu.memref_slice %arg6[%add3A_12, %dma_start3A_207] : memref<10112x64xf32, #tpu.memory_space<vmem_shared>> -> memref<112x64xf32, #tpu.memory_space<vmem_shared>>
      tpu.enqueue_dma source(%arg9 : memref<112x64xf32, #tpu.memory_space<vmem>>) target(%dma_start3A_208 : memref<112x64xf32, #tpu.memory_space<vmem_shared>>) target_semaphore(%run_scoped3A : memref<!tpu.dma_semaphore, #tpu.memory_space<semaphore_mem>>)
      %dma_wait3A_209 = arith.constant 0 : i32
      %dma_wait3A_210 = tpu.memref_slice %arg6[%add3A_12, %dma_wait3A_209] : memref<10112x64xf32, #tpu.memory_space<vmem_shared>> -> memref<112x64xf32, #tpu.memory_space<vmem_shared>>
      %dma_wait3A_211 = arith.constant 0 : i32
      %dma_wait3A_212 = tpu.memref_slice %arg6[%add3A_12, %dma_wait3A_211] : memref<10112x64xf32, #tpu.memory_space<vmem_shared>> -> memref<112x64xf32, #tpu.memory_space<vmem_shared>>
      tpu.wait_dma2 semaphore(%run_scoped3A : memref<!tpu.dma_semaphore, #tpu.memory_space<semaphore_mem>>) src(%arg9 : memref<112x64xf32, #tpu.memory_space<vmem>>) dst(%dma_wait3A_212 : memref<112x64xf32, #tpu.memory_space<vmem_shared>>)
      tpu.yield
    }) : () -> ()
    %add3A_13 = arith.constant 336 : i32
    %add3A_14 = arith.addi %mul3A_7, %add3A_13 : i32
    "tpu.region"() ({
      %run_scoped3A = tpu.sem_alloc : memref<!tpu.dma_semaphore, #tpu.memory_space<semaphore_mem>>
      %dma_start3A_205 = arith.constant 0 : i32
      %dma_start3A_206 = tpu.memref_slice %arg6[%add3A_14, %dma_start3A_205] : memref<10112x64xf32, #tpu.memory_space<vmem_shared>> -> memref<112x64xf32, #tpu.memory_space<vmem_shared>>
      %dma_start3A_207 = arith.constant 0 : i32
      %dma_start3A_208 = tpu.memref_slice %arg6[%add3A_14, %dma_start3A_207] : memref<10112x64xf32, #tpu.memory_space<vmem_shared>> -> memref<112x64xf32, #tpu.memory_space<vmem_shared>>
      tpu.enqueue_dma source(%arg9 : memref<112x64xf32, #tpu.memory_space<vmem>>) target(%dma_start3A_208 : memref<112x64xf32, #tpu.memory_space<vmem_shared>>) target_semaphore(%run_scoped3A : memref<!tpu.dma_semaphore, #tpu.memory_space<semaphore_mem>>)
      %dma_wait3A_209 = arith.constant 0 : i32
      %dma_wait3A_210 = tpu.memref_slice %arg6[%add3A_14, %dma_wait3A_209] : memref<10112x64xf32, #tpu.memory_space<vmem_shared>> -> memref<112x64xf32, #tpu.memory_space<vmem_shared>>
      %dma_wait3A_211 = arith.constant 0 : i32
      %dma_wait3A_212 = tpu.memref_slice %arg6[%add3A_14, %dma_wait3A_211] : memref<10112x64xf32, #tpu.memory_space<vmem_shared>> -> memref<112x64xf32, #tpu.memory_space<vmem_shared>>
      tpu.wait_dma2 semaphore(%run_scoped3A : memref<!tpu.dma_semaphore, #tpu.memory_space<semaphore_mem>>) src(%arg9 : memref<112x64xf32, #tpu.memory_space<vmem>>) dst(%dma_wait3A_212 : memref<112x64xf32, #tpu.memory_space<vmem_shared>>)
      tpu.yield
    }) : () -> ()
    %add3A_15 = arith.constant 448 : i32
    %add3A_16 = arith.addi %mul3A_7, %add3A_15 : i32
    "tpu.region"() ({
      %run_scoped3A = tpu.sem_alloc : memref<!tpu.dma_semaphore, #tpu.memory_space<semaphore_mem>>
      %dma_start3A_205 = arith.constant 0 : i32
      %dma_start3A_206 = tpu.memref_slice %arg6[%add3A_16, %dma_start3A_205] : memref<10112x64xf32, #tpu.memory_space<vmem_shared>> -> memref<112x64xf32, #tpu.memory_space<vmem_shared>>
      %dma_start3A_207 = arith.constant 0 : i32
      %dma_start3A_208 = tpu.memref_slice %arg6[%add3A_16, %dma_start3A_207] : memref<10112x64xf32, #tpu.memory_space<vmem_shared>> -> memref<112x64xf32, #tpu.memory_space<vmem_shared>>
      tpu.enqueue_dma source(%arg9 : memref<112x64xf32, #tpu.memory_space<vmem>>) target(%dma_start3A_208 : memref<112x64xf32, #tpu.memory_space<vmem_shared>>) target_semaphore(%run_scoped3A : memref<!tpu.dma_semaphore, #tpu.memory_space<semaphore_mem>>)
      %dma_wait3A_209 = arith.constant 0 : i32
      %dma_wait3A_210 = tpu.memref_slice %arg6[%add3A_16, %dma_wait3A_209] : memref<10112x64xf32, #tpu.memory_space<vmem_shared>> -> memref<112x64xf32, #tpu.memory_space<vmem_shared>>
      %dma_wait3A_211 = arith.constant 0 : i32
      %dma_wait3A_212 = tpu.memref_slice %arg6[%add3A_16, %dma_wait3A_211] : memref<10112x64xf32, #tpu.memory_space<vmem_shared>> -> memref<112x64xf32, #tpu.memory_space<vmem_shared>>
      tpu.wait_dma2 semaphore(%run_scoped3A : memref<!tpu.dma_semaphore, #tpu.memory_space<semaphore_mem>>) src(%arg9 : memref<112x64xf32, #tpu.memory_space<vmem>>) dst(%dma_wait3A_212 : memref<112x64xf32, #tpu.memory_space<vmem_shared>>)
      tpu.yield
    }) : () -> ()
    %add3A_17 = arith.constant 560 : i32
    %add3A_18 = arith.addi %mul3A_7, %add3A_17 : i32
    "tpu.region"() ({
      %run_scoped3A = tpu.sem_alloc : memref<!tpu.dma_semaphore, #tpu.memory_space<semaphore_mem>>
      %dma_start3A_205 = arith.constant 0 : i32
      %dma_start3A_206 = arith.constant 0 : i32
      %dma_start3A_207 = tpu.memref_slice %arg9[%dma_start3A_205, %dma_start3A_206] : memref<112x64xf32, #tpu.memory_space<vmem>> -> memref<72x64xf32, #tpu.memory_space<vmem>>
      %dma_start3A_208 = arith.constant 0 : i32
      %dma_start3A_209 = tpu.memref_slice %arg6[%add3A_18, %dma_start3A_208] : memref<10112x64xf32, #tpu.memory_space<vmem_shared>> -> memref<72x64xf32, #tpu.memory_space<vmem_shared>>
      %dma_start3A_210 = arith.constant 0 : i32
      %dma_start3A_211 = tpu.memref_slice %arg6[%add3A_18, %dma_start3A_210] : memref<10112x64xf32, #tpu.memory_space<vmem_shared>> -> memref<72x64xf32, #tpu.memory_space<vmem_shared>>
      %dma_start3A_212 = arith.constant 0 : i32
      %dma_start3A_213 = arith.constant 0 : i32
      %dma_start3A_214 = tpu.memref_slice %arg9[%dma_start3A_212, %dma_start3A_213] : memref<112x64xf32, #tpu.memory_space<vmem>> -> memref<72x64xf32, #tpu.memory_space<vmem>>
      tpu.enqueue_dma source(%dma_start3A_214 : memref<72x64xf32, #tpu.memory_space<vmem>>) target(%dma_start3A_211 : memref<72x64xf32, #tpu.memory_space<vmem_shared>>) target_semaphore(%run_scoped3A : memref<!tpu.dma_semaphore, #tpu.memory_space<semaphore_mem>>)
      %dma_wait3A_215 = arith.constant 0 : i32
      %dma_wait3A_216 = arith.constant 0 : i32
      %dma_wait3A_217 = tpu.memref_slice %arg9[%dma_wait3A_215, %dma_wait3A_216] : memref<112x64xf32, #tpu.memory_space<vmem>> -> memref<72x64xf32, #tpu.memory_space<vmem>>
      %dma_wait3A_218 = arith.constant 0 : i32
      %dma_wait3A_219 = tpu.memref_slice %arg6[%add3A_18, %dma_wait3A_218] : memref<10112x64xf32, #tpu.memory_space<vmem_shared>> -> memref<72x64xf32, #tpu.memory_space<vmem_shared>>
      %dma_wait3A_220 = arith.constant 0 : i32
      %dma_wait3A_221 = tpu.memref_slice %arg6[%add3A_18, %dma_wait3A_220] : memref<10112x64xf32, #tpu.memory_space<vmem_shared>> -> memref<72x64xf32, #tpu.memory_space<vmem_shared>>
      %dma_wait3A_222 = arith.constant 0 : i32
      %dma_wait3A_223 = arith.constant 0 : i32
      %dma_wait3A_224 = tpu.memref_slice %arg9[%dma_wait3A_222, %dma_wait3A_223] : memref<112x64xf32, #tpu.memory_space<vmem>> -> memref<72x64xf32, #tpu.memory_space<vmem>>
      tpu.wait_dma2 semaphore(%run_scoped3A : memref<!tpu.dma_semaphore, #tpu.memory_space<semaphore_mem>>) src(%dma_wait3A_224 : memref<72x64xf32, #tpu.memory_space<vmem>>) dst(%dma_wait3A_221 : memref<72x64xf32, #tpu.memory_space<vmem_shared>>)
      tpu.yield
    }) : () -> ()
    %mul3A_19 = arith.constant 16 : i32
    %mul3A_20 = arith.muli %arg0, %mul3A_19 : i32
    %add3A_21 = arith.addi %mul3A_20, %arg1 : i32
    %mul3A_22 = arith.constant 180 : i32
    %mul3A_23 = arith.muli %add3A_21, %mul3A_22 : i32
    "tpu.region"() ({
      %run_scoped3A = tpu.sem_alloc : memref<!tpu.dma_semaphore, #tpu.memory_space<semaphore_mem>>
      %dma_start3A_205 = arith.constant 0 : i32
      %dma_start3A_206 = tpu.memref_slice %arg3[%mul3A_23, %dma_start3A_205] : memref<5760x112xi32, #tpu.memory_space<hbm>> -> memref<180x112xi32, #tpu.memory_space<hbm>>
      %dma_start3A_207 = arith.constant 0 : i32
      %dma_start3A_208 = tpu.memref_slice %arg3[%mul3A_23, %dma_start3A_207] : memref<5760x112xi32, #tpu.memory_space<hbm>> -> memref<180x112xi32, #tpu.memory_space<hbm>>
      tpu.enqueue_dma source(%dma_start3A_208 : memref<180x112xi32, #tpu.memory_space<hbm>>) target(%arg7 : memref<180x112xi32, #tpu.memory_space<vmem>>) target_semaphore(%run_scoped3A : memref<!tpu.dma_semaphore, #tpu.memory_space<semaphore_mem>>)
      %dma_wait3A_209 = arith.constant 0 : i32
      %dma_wait3A_210 = tpu.memref_slice %arg3[%mul3A_23, %dma_wait3A_209] : memref<5760x112xi32, #tpu.memory_space<hbm>> -> memref<180x112xi32, #tpu.memory_space<hbm>>
      %dma_wait3A_211 = arith.constant 0 : i32
      %dma_wait3A_212 = tpu.memref_slice %arg3[%mul3A_23, %dma_wait3A_211] : memref<5760x112xi32, #tpu.memory_space<hbm>> -> memref<180x112xi32, #tpu.memory_space<hbm>>
      tpu.wait_dma2 semaphore(%run_scoped3A : memref<!tpu.dma_semaphore, #tpu.memory_space<semaphore_mem>>) src(%dma_wait3A_212 : memref<180x112xi32, #tpu.memory_space<hbm>>) dst(%arg7 : memref<180x112xi32, #tpu.memory_space<vmem>>)
      tpu.yield
    }) : () -> ()
    %mul3A_24 = arith.constant 180 : i32
    %mul3A_25 = arith.muli %arg1, %mul3A_24 : i32
    "tpu.region"() ({
      %run_scoped3A = tpu.sem_alloc : memref<!tpu.dma_semaphore, #tpu.memory_space<semaphore_mem>>
      %dma_start3A_205 = arith.constant 0 : i32
      %dma_start3A_206 = tpu.memref_slice %arg4[%mul3A_25, %dma_start3A_205] : memref<2880x112xi32, #tpu.memory_space<hbm>> -> memref<180x112xi32, #tpu.memory_space<hbm>>
      %dma_start3A_207 = arith.constant 0 : i32
      %dma_start3A_208 = tpu.memref_slice %arg4[%mul3A_25, %dma_start3A_207] : memref<2880x112xi32, #tpu.memory_space<hbm>> -> memref<180x112xi32, #tpu.memory_space<hbm>>
      tpu.enqueue_dma source(%dma_start3A_208 : memref<180x112xi32, #tpu.memory_space<hbm>>) target(%arg8 : memref<180x112xi32, #tpu.memory_space<vmem>>) target_semaphore(%run_scoped3A : memref<!tpu.dma_semaphore, #tpu.memory_space<semaphore_mem>>)
      %dma_wait3A_209 = arith.constant 0 : i32
      %dma_wait3A_210 = tpu.memref_slice %arg4[%mul3A_25, %dma_wait3A_209] : memref<2880x112xi32, #tpu.memory_space<hbm>> -> memref<180x112xi32, #tpu.memory_space<hbm>>
      %dma_wait3A_211 = arith.constant 0 : i32
      %dma_wait3A_212 = tpu.memref_slice %arg4[%mul3A_25, %dma_wait3A_211] : memref<2880x112xi32, #tpu.memory_space<hbm>> -> memref<180x112xi32, #tpu.memory_space<hbm>>
      tpu.wait_dma2 semaphore(%run_scoped3A : memref<!tpu.dma_semaphore, #tpu.memory_space<semaphore_mem>>) src(%dma_wait3A_212 : memref<180x112xi32, #tpu.memory_space<hbm>>) dst(%arg8 : memref<180x112xi32, #tpu.memory_space<vmem>>)
      tpu.yield
    }) : () -> ()
    %barrier3A = arith.constant 0 : index
    tpu.barrier barrier_id(%barrier3A)
    %dma_start3A = arith.constant 0 : i32
    %dma_start3A_26 = arith.constant 0 : i32
    %dma_start3A_27 = tpu.memref_slice %arg7[%dma_start3A, %dma_start3A_26] : memref<180x112xi32, #tpu.memory_space<vmem>> -> memref<1x112xi32, #tpu.memory_space<vmem>>
    %dma_start3A_28 = tpu.memref_squeeze %dma_start3A_27 : memref<1x112xi32, #tpu.memory_space<vmem>> -> memref<112xi32, #tpu.memory_space<vmem>>
    %dma_start3A_29 = arith.constant 0 : i32
    %dma_start3A_30 = arith.constant 0 : i32
    %dma_start3A_31 = tpu.memref_slice %arg2[%dma_start3A_29, %dma_start3A_30] : memref<20000x64xf32, #tpu.memory_space<hbm>> -> memref<20000x64xf32, #tpu.memory_space<hbm>>
    tpu.enqueue_indirect_dma source(%dma_start3A_31 : memref<20000x64xf32, #tpu.memory_space<hbm>>) target(%arg9 : memref<112x64xf32, #tpu.memory_space<vmem>>) offsets(%dma_start3A_28 : memref<112xi32, #tpu.memory_space<vmem>>) semaphore(%arg15 : memref<!tpu.dma_semaphore, #tpu.memory_space<semaphore_mem>>)
    %dma_start3A_32 = arith.constant 1 : i32
    %dma_start3A_33 = arith.constant 0 : i32
    %dma_start3A_34 = tpu.memref_slice %arg7[%dma_start3A_32, %dma_start3A_33] : memref<180x112xi32, #tpu.memory_space<vmem>> -> memref<1x112xi32, #tpu.memory_space<vmem>>
    %dma_start3A_35 = tpu.memref_squeeze %dma_start3A_34 : memref<1x112xi32, #tpu.memory_space<vmem>> -> memref<112xi32, #tpu.memory_space<vmem>>
    %dma_start3A_36 = arith.constant 0 : i32
    %dma_start3A_37 = arith.constant 0 : i32
    %dma_start3A_38 = tpu.memref_slice %arg2[%dma_start3A_36, %dma_start3A_37] : memref<20000x64xf32, #tpu.memory_space<hbm>> -> memref<20000x64xf32, #tpu.memory_space<hbm>>
    tpu.enqueue_indirect_dma source(%dma_start3A_38 : memref<20000x64xf32, #tpu.memory_space<hbm>>) target(%arg10 : memref<112x64xf32, #tpu.memory_space<vmem>>) offsets(%dma_start3A_35 : memref<112xi32, #tpu.memory_space<vmem>>) semaphore(%arg16 : memref<!tpu.dma_semaphore, #tpu.memory_space<semaphore_mem>>)
    %dma_start3A_39 = arith.constant 2 : i32
    %dma_start3A_40 = arith.constant 0 : i32
    %dma_start3A_41 = tpu.memref_slice %arg7[%dma_start3A_39, %dma_start3A_40] : memref<180x112xi32, #tpu.memory_space<vmem>> -> memref<1x112xi32, #tpu.memory_space<vmem>>
    %dma_start3A_42 = tpu.memref_squeeze %dma_start3A_41 : memref<1x112xi32, #tpu.memory_space<vmem>> -> memref<112xi32, #tpu.memory_space<vmem>>
    %dma_start3A_43 = arith.constant 0 : i32
    %dma_start3A_44 = arith.constant 0 : i32
    %dma_start3A_45 = tpu.memref_slice %arg2[%dma_start3A_43, %dma_start3A_44] : memref<20000x64xf32, #tpu.memory_space<hbm>> -> memref<20000x64xf32, #tpu.memory_space<hbm>>
    tpu.enqueue_indirect_dma source(%dma_start3A_45 : memref<20000x64xf32, #tpu.memory_space<hbm>>) target(%arg11 : memref<112x64xf32, #tpu.memory_space<vmem>>) offsets(%dma_start3A_42 : memref<112xi32, #tpu.memory_space<vmem>>) semaphore(%arg17 : memref<!tpu.dma_semaphore, #tpu.memory_space<semaphore_mem>>)
    %dma_wait3A = arith.constant 0 : i32
    %dma_wait3A_46 = arith.constant 0 : i32
    %dma_wait3A_47 = tpu.memref_slice %arg7[%dma_wait3A, %dma_wait3A_46] : memref<180x112xi32, #tpu.memory_space<vmem>> -> memref<1x112xi32, #tpu.memory_space<vmem>>
    %dma_wait3A_48 = tpu.memref_squeeze %dma_wait3A_47 : memref<1x112xi32, #tpu.memory_space<vmem>> -> memref<112xi32, #tpu.memory_space<vmem>>
    %dma_wait3A_49 = arith.constant 0 : i32
    %dma_wait3A_50 = arith.constant 0 : i32
    %dma_wait3A_51 = tpu.memref_slice %arg2[%dma_wait3A_49, %dma_wait3A_50] : memref<20000x64xf32, #tpu.memory_space<hbm>> -> memref<20000x64xf32, #tpu.memory_space<hbm>>
    tpu.wait_indirect_dma semaphore(%arg15 : memref<!tpu.dma_semaphore, #tpu.memory_space<semaphore_mem>>) src(%dma_wait3A_51 : memref<20000x64xf32, #tpu.memory_space<hbm>>) dst(%arg9 : memref<112x64xf32, #tpu.memory_space<vmem>>)
    %dma_start3A_52 = arith.constant 0 : i32
    %dma_start3A_53 = arith.constant 0 : i32
    %dma_start3A_54 = tpu.memref_slice %arg8[%dma_start3A_52, %dma_start3A_53] : memref<180x112xi32, #tpu.memory_space<vmem>> -> memref<1x112xi32, #tpu.memory_space<vmem>>
    %dma_start3A_55 = tpu.memref_squeeze %dma_start3A_54 : memref<1x112xi32, #tpu.memory_space<vmem>> -> memref<112xi32, #tpu.memory_space<vmem>>
    %dma_start3A_56 = arith.constant 0 : i32
    %dma_start3A_57 = arith.constant 0 : i32
    %dma_start3A_58 = tpu.memref_slice %arg6[%dma_start3A_56, %dma_start3A_57] : memref<10112x64xf32, #tpu.memory_space<vmem_shared>> -> memref<10112x64xf32, #tpu.memory_space<vmem_shared>>
    tpu.enqueue_indirect_dma source(%arg9 : memref<112x64xf32, #tpu.memory_space<vmem>>) target(%dma_start3A_58 : memref<10112x64xf32, #tpu.memory_space<vmem_shared>>) offsets(%dma_start3A_55 : memref<112xi32, #tpu.memory_space<vmem>>) semaphore(%arg21 : memref<!tpu.dma_semaphore, #tpu.memory_space<semaphore_mem>>) {add = true}
    %dma_wait3A_59 = arith.constant 1 : i32
    %dma_wait3A_60 = arith.constant 0 : i32
    %dma_wait3A_61 = tpu.memref_slice %arg7[%dma_wait3A_59, %dma_wait3A_60] : memref<180x112xi32, #tpu.memory_space<vmem>> -> memref<1x112xi32, #tpu.memory_space<vmem>>
    %dma_wait3A_62 = tpu.memref_squeeze %dma_wait3A_61 : memref<1x112xi32, #tpu.memory_space<vmem>> -> memref<112xi32, #tpu.memory_space<vmem>>
    %dma_wait3A_63 = arith.constant 0 : i32
    %dma_wait3A_64 = arith.constant 0 : i32
    %dma_wait3A_65 = tpu.memref_slice %arg2[%dma_wait3A_63, %dma_wait3A_64] : memref<20000x64xf32, #tpu.memory_space<hbm>> -> memref<20000x64xf32, #tpu.memory_space<hbm>>
    tpu.wait_indirect_dma semaphore(%arg16 : memref<!tpu.dma_semaphore, #tpu.memory_space<semaphore_mem>>) src(%dma_wait3A_65 : memref<20000x64xf32, #tpu.memory_space<hbm>>) dst(%arg10 : memref<112x64xf32, #tpu.memory_space<vmem>>)
    %dma_start3A_66 = arith.constant 1 : i32
    %dma_start3A_67 = arith.constant 0 : i32
    %dma_start3A_68 = tpu.memref_slice %arg8[%dma_start3A_66, %dma_start3A_67] : memref<180x112xi32, #tpu.memory_space<vmem>> -> memref<1x112xi32, #tpu.memory_space<vmem>>
    %dma_start3A_69 = tpu.memref_squeeze %dma_start3A_68 : memref<1x112xi32, #tpu.memory_space<vmem>> -> memref<112xi32, #tpu.memory_space<vmem>>
    %dma_start3A_70 = arith.constant 0 : i32
    %dma_start3A_71 = arith.constant 0 : i32
    %dma_start3A_72 = tpu.memref_slice %arg6[%dma_start3A_70, %dma_start3A_71] : memref<10112x64xf32, #tpu.memory_space<vmem_shared>> -> memref<10112x64xf32, #tpu.memory_space<vmem_shared>>
    tpu.enqueue_indirect_dma source(%arg10 : memref<112x64xf32, #tpu.memory_space<vmem>>) target(%dma_start3A_72 : memref<10112x64xf32, #tpu.memory_space<vmem_shared>>) offsets(%dma_start3A_69 : memref<112xi32, #tpu.memory_space<vmem>>) semaphore(%arg22 : memref<!tpu.dma_semaphore, #tpu.memory_space<semaphore_mem>>) {add = true}
    %dma_wait3A_73 = arith.constant 2 : i32
    %dma_wait3A_74 = arith.constant 0 : i32
    %dma_wait3A_75 = tpu.memref_slice %arg7[%dma_wait3A_73, %dma_wait3A_74] : memref<180x112xi32, #tpu.memory_space<vmem>> -> memref<1x112xi32, #tpu.memory_space<vmem>>
    %dma_wait3A_76 = tpu.memref_squeeze %dma_wait3A_75 : memref<1x112xi32, #tpu.memory_space<vmem>> -> memref<112xi32, #tpu.memory_space<vmem>>
    %dma_wait3A_77 = arith.constant 0 : i32
    %dma_wait3A_78 = arith.constant 0 : i32
    %dma_wait3A_79 = tpu.memref_slice %arg2[%dma_wait3A_77, %dma_wait3A_78] : memref<20000x64xf32, #tpu.memory_space<hbm>> -> memref<20000x64xf32, #tpu.memory_space<hbm>>
    tpu.wait_indirect_dma semaphore(%arg17 : memref<!tpu.dma_semaphore, #tpu.memory_space<semaphore_mem>>) src(%dma_wait3A_79 : memref<20000x64xf32, #tpu.memory_space<hbm>>) dst(%arg11 : memref<112x64xf32, #tpu.memory_space<vmem>>)
    %dma_start3A_80 = arith.constant 2 : i32
    %dma_start3A_81 = arith.constant 0 : i32
    %dma_start3A_82 = tpu.memref_slice %arg8[%dma_start3A_80, %dma_start3A_81] : memref<180x112xi32, #tpu.memory_space<vmem>> -> memref<1x112xi32, #tpu.memory_space<vmem>>
    %dma_start3A_83 = tpu.memref_squeeze %dma_start3A_82 : memref<1x112xi32, #tpu.memory_space<vmem>> -> memref<112xi32, #tpu.memory_space<vmem>>
    %dma_start3A_84 = arith.constant 0 : i32
    %dma_start3A_85 = arith.constant 0 : i32
    %dma_start3A_86 = tpu.memref_slice %arg6[%dma_start3A_84, %dma_start3A_85] : memref<10112x64xf32, #tpu.memory_space<vmem_shared>> -> memref<10112x64xf32, #tpu.memory_space<vmem_shared>>
    tpu.enqueue_indirect_dma source(%arg11 : memref<112x64xf32, #tpu.memory_space<vmem>>) target(%dma_start3A_86 : memref<10112x64xf32, #tpu.memory_space<vmem_shared>>) offsets(%dma_start3A_83 : memref<112xi32, #tpu.memory_space<vmem>>) semaphore(%arg23 : memref<!tpu.dma_semaphore, #tpu.memory_space<semaphore_mem>>) {add = true}
    %dma_start3A_87 = arith.constant 3 : i32
    %dma_start3A_88 = arith.constant 0 : i32
    %dma_start3A_89 = tpu.memref_slice %arg7[%dma_start3A_87, %dma_start3A_88] : memref<180x112xi32, #tpu.memory_space<vmem>> -> memref<1x112xi32, #tpu.memory_space<vmem>>
    %dma_start3A_90 = tpu.memref_squeeze %dma_start3A_89 : memref<1x112xi32, #tpu.memory_space<vmem>> -> memref<112xi32, #tpu.memory_space<vmem>>
    %dma_start3A_91 = arith.constant 0 : i32
    %dma_start3A_92 = arith.constant 0 : i32
    %dma_start3A_93 = tpu.memref_slice %arg2[%dma_start3A_91, %dma_start3A_92] : memref<20000x64xf32, #tpu.memory_space<hbm>> -> memref<20000x64xf32, #tpu.memory_space<hbm>>
    tpu.enqueue_indirect_dma source(%dma_start3A_93 : memref<20000x64xf32, #tpu.memory_space<hbm>>) target(%arg12 : memref<112x64xf32, #tpu.memory_space<vmem>>) offsets(%dma_start3A_90 : memref<112xi32, #tpu.memory_space<vmem>>) semaphore(%arg18 : memref<!tpu.dma_semaphore, #tpu.memory_space<semaphore_mem>>)
    %dma_start3A_94 = arith.constant 4 : i32
    %dma_start3A_95 = arith.constant 0 : i32
    %dma_start3A_96 = tpu.memref_slice %arg7[%dma_start3A_94, %dma_start3A_95] : memref<180x112xi32, #tpu.memory_space<vmem>> -> memref<1x112xi32, #tpu.memory_space<vmem>>
    %dma_start3A_97 = tpu.memref_squeeze %dma_start3A_96 : memref<1x112xi32, #tpu.memory_space<vmem>> -> memref<112xi32, #tpu.memory_space<vmem>>
    %dma_start3A_98 = arith.constant 0 : i32
    %dma_start3A_99 = arith.constant 0 : i32
    %dma_start3A_100 = tpu.memref_slice %arg2[%dma_start3A_98, %dma_start3A_99] : memref<20000x64xf32, #tpu.memory_space<hbm>> -> memref<20000x64xf32, #tpu.memory_space<hbm>>
    tpu.enqueue_indirect_dma source(%dma_start3A_100 : memref<20000x64xf32, #tpu.memory_space<hbm>>) target(%arg13 : memref<112x64xf32, #tpu.memory_space<vmem>>) offsets(%dma_start3A_97 : memref<112xi32, #tpu.memory_space<vmem>>) semaphore(%arg19 : memref<!tpu.dma_semaphore, #tpu.memory_space<semaphore_mem>>)
    %dma_start3A_101 = arith.constant 5 : i32
    %dma_start3A_102 = arith.constant 0 : i32
    %dma_start3A_103 = tpu.memref_slice %arg7[%dma_start3A_101, %dma_start3A_102] : memref<180x112xi32, #tpu.memory_space<vmem>> -> memref<1x112xi32, #tpu.memory_space<vmem>>
    %dma_start3A_104 = tpu.memref_squeeze %dma_start3A_103 : memref<1x112xi32, #tpu.memory_space<vmem>> -> memref<112xi32, #tpu.memory_space<vmem>>
    %dma_start3A_105 = arith.constant 0 : i32
    %dma_start3A_106 = arith.constant 0 : i32
    %dma_start3A_107 = tpu.memref_slice %arg2[%dma_start3A_105, %dma_start3A_106] : memref<20000x64xf32, #tpu.memory_space<hbm>> -> memref<20000x64xf32, #tpu.memory_space<hbm>>
    tpu.enqueue_indirect_dma source(%dma_start3A_107 : memref<20000x64xf32, #tpu.memory_space<hbm>>) target(%arg14 : memref<112x64xf32, #tpu.memory_space<vmem>>) offsets(%dma_start3A_104 : memref<112xi32, #tpu.memory_space<vmem>>) semaphore(%arg20 : memref<!tpu.dma_semaphore, #tpu.memory_space<semaphore_mem>>)
    %dma_wait3A_108 = arith.constant 3 : i32
    %dma_wait3A_109 = arith.constant 0 : i32
    %dma_wait3A_110 = tpu.memref_slice %arg7[%dma_wait3A_108, %dma_wait3A_109] : memref<180x112xi32, #tpu.memory_space<vmem>> -> memref<1x112xi32, #tpu.memory_space<vmem>>
    %dma_wait3A_111 = tpu.memref_squeeze %dma_wait3A_110 : memref<1x112xi32, #tpu.memory_space<vmem>> -> memref<112xi32, #tpu.memory_space<vmem>>
    %dma_wait3A_112 = arith.constant 0 : i32
    %dma_wait3A_113 = arith.constant 0 : i32
    %dma_wait3A_114 = tpu.memref_slice %arg2[%dma_wait3A_112, %dma_wait3A_113] : memref<20000x64xf32, #tpu.memory_space<hbm>> -> memref<20000x64xf32, #tpu.memory_space<hbm>>
    tpu.wait_indirect_dma semaphore(%arg18 : memref<!tpu.dma_semaphore, #tpu.memory_space<semaphore_mem>>) src(%dma_wait3A_114 : memref<20000x64xf32, #tpu.memory_space<hbm>>) dst(%arg12 : memref<112x64xf32, #tpu.memory_space<vmem>>)
    %dma_start3A_115 = arith.constant 3 : i32
    %dma_start3A_116 = arith.constant 0 : i32
    %dma_start3A_117 = tpu.memref_slice %arg8[%dma_start3A_115, %dma_start3A_116] : memref<180x112xi32, #tpu.memory_space<vmem>> -> memref<1x112xi32, #tpu.memory_space<vmem>>
    %dma_start3A_118 = tpu.memref_squeeze %dma_start3A_117 : memref<1x112xi32, #tpu.memory_space<vmem>> -> memref<112xi32, #tpu.memory_space<vmem>>
    %dma_start3A_119 = arith.constant 0 : i32
    %dma_start3A_120 = arith.constant 0 : i32
    %dma_start3A_121 = tpu.memref_slice %arg6[%dma_start3A_119, %dma_start3A_120] : memref<10112x64xf32, #tpu.memory_space<vmem_shared>> -> memref<10112x64xf32, #tpu.memory_space<vmem_shared>>
    tpu.enqueue_indirect_dma source(%arg12 : memref<112x64xf32, #tpu.memory_space<vmem>>) target(%dma_start3A_121 : memref<10112x64xf32, #tpu.memory_space<vmem_shared>>) offsets(%dma_start3A_118 : memref<112xi32, #tpu.memory_space<vmem>>) semaphore(%arg24 : memref<!tpu.dma_semaphore, #tpu.memory_space<semaphore_mem>>) {add = true}
    %dma_wait3A_122 = arith.constant 4 : i32
    %dma_wait3A_123 = arith.constant 0 : i32
    %dma_wait3A_124 = tpu.memref_slice %arg7[%dma_wait3A_122, %dma_wait3A_123] : memref<180x112xi32, #tpu.memory_space<vmem>> -> memref<1x112xi32, #tpu.memory_space<vmem>>
    %dma_wait3A_125 = tpu.memref_squeeze %dma_wait3A_124 : memref<1x112xi32, #tpu.memory_space<vmem>> -> memref<112xi32, #tpu.memory_space<vmem>>
    %dma_wait3A_126 = arith.constant 0 : i32
    %dma_wait3A_127 = arith.constant 0 : i32
    %dma_wait3A_128 = tpu.memref_slice %arg2[%dma_wait3A_126, %dma_wait3A_127] : memref<20000x64xf32, #tpu.memory_space<hbm>> -> memref<20000x64xf32, #tpu.memory_space<hbm>>
    tpu.wait_indirect_dma semaphore(%arg19 : memref<!tpu.dma_semaphore, #tpu.memory_space<semaphore_mem>>) src(%dma_wait3A_128 : memref<20000x64xf32, #tpu.memory_space<hbm>>) dst(%arg13 : memref<112x64xf32, #tpu.memory_space<vmem>>)
    %dma_start3A_129 = arith.constant 4 : i32
    %dma_start3A_130 = arith.constant 0 : i32
    %dma_start3A_131 = tpu.memref_slice %arg8[%dma_start3A_129, %dma_start3A_130] : memref<180x112xi32, #tpu.memory_space<vmem>> -> memref<1x112xi32, #tpu.memory_space<vmem>>
    %dma_start3A_132 = tpu.memref_squeeze %dma_start3A_131 : memref<1x112xi32, #tpu.memory_space<vmem>> -> memref<112xi32, #tpu.memory_space<vmem>>
    %dma_start3A_133 = arith.constant 0 : i32
    %dma_start3A_134 = arith.constant 0 : i32
    %dma_start3A_135 = tpu.memref_slice %arg6[%dma_start3A_133, %dma_start3A_134] : memref<10112x64xf32, #tpu.memory_space<vmem_shared>> -> memref<10112x64xf32, #tpu.memory_space<vmem_shared>>
    tpu.enqueue_indirect_dma source(%arg13 : memref<112x64xf32, #tpu.memory_space<vmem>>) target(%dma_start3A_135 : memref<10112x64xf32, #tpu.memory_space<vmem_shared>>) offsets(%dma_start3A_132 : memref<112xi32, #tpu.memory_space<vmem>>) semaphore(%arg25 : memref<!tpu.dma_semaphore, #tpu.memory_space<semaphore_mem>>) {add = true}
    %dma_wait3A_136 = arith.constant 5 : i32
    %dma_wait3A_137 = arith.constant 0 : i32
    %dma_wait3A_138 = tpu.memref_slice %arg7[%dma_wait3A_136, %dma_wait3A_137] : memref<180x112xi32, #tpu.memory_space<vmem>> -> memref<1x112xi32, #tpu.memory_space<vmem>>
    %dma_wait3A_139 = tpu.memref_squeeze %dma_wait3A_138 : memref<1x112xi32, #tpu.memory_space<vmem>> -> memref<112xi32, #tpu.memory_space<vmem>>
    %dma_wait3A_140 = arith.constant 0 : i32
    %dma_wait3A_141 = arith.constant 0 : i32
    %dma_wait3A_142 = tpu.memref_slice %arg2[%dma_wait3A_140, %dma_wait3A_141] : memref<20000x64xf32, #tpu.memory_space<hbm>> -> memref<20000x64xf32, #tpu.memory_space<hbm>>
    tpu.wait_indirect_dma semaphore(%arg20 : memref<!tpu.dma_semaphore, #tpu.memory_space<semaphore_mem>>) src(%dma_wait3A_142 : memref<20000x64xf32, #tpu.memory_space<hbm>>) dst(%arg14 : memref<112x64xf32, #tpu.memory_space<vmem>>)
    %dma_start3A_143 = arith.constant 5 : i32
    %dma_start3A_144 = arith.constant 0 : i32
    %dma_start3A_145 = tpu.memref_slice %arg8[%dma_start3A_143, %dma_start3A_144] : memref<180x112xi32, #tpu.memory_space<vmem>> -> memref<1x112xi32, #tpu.memory_space<vmem>>
    %dma_start3A_146 = tpu.memref_squeeze %dma_start3A_145 : memref<1x112xi32, #tpu.memory_space<vmem>> -> memref<112xi32, #tpu.memory_space<vmem>>
    %dma_start3A_147 = arith.constant 0 : i32
    %dma_start3A_148 = arith.constant 0 : i32
    %dma_start3A_149 = tpu.memref_slice %arg6[%dma_start3A_147, %dma_start3A_148] : memref<10112x64xf32, #tpu.memory_space<vmem_shared>> -> memref<10112x64xf32, #tpu.memory_space<vmem_shared>>
    tpu.enqueue_indirect_dma source(%arg14 : memref<112x64xf32, #tpu.memory_space<vmem>>) target(%dma_start3A_149 : memref<10112x64xf32, #tpu.memory_space<vmem_shared>>) offsets(%dma_start3A_146 : memref<112xi32, #tpu.memory_space<vmem>>) semaphore(%arg26 : memref<!tpu.dma_semaphore, #tpu.memory_space<semaphore_mem>>) {add = true}
    %scan3A_150 = arith.constant 0 : i32
    %scan3A_151 = arith.constant 1 : i32
    %scan3A_152 = arith.constant 29 : i32
    %scan3A_153 = arith.addi %scan3A_151, %scan3A_152 : i32
    %scan3A_154 = arith.constant 1 : i32
    %scan3A_155 = scf.for %scan3A_205 = %scan3A_151 to %scan3A_153 step %scan3A_154 iter_args(%scan3A_206 = %scan3A_150) -> (i32)  : i32 {
      %mul3A_207 = arith.constant 2 : i32
      %mul3A_208 = arith.muli %mul3A_207, %scan3A_205 : i32
      %add3A_209 = arith.constant 0 : i32
      %add3A_210 = arith.addi %mul3A_208, %add3A_209 : i32
      %mul3A_211 = arith.constant 3 : i32
      %mul3A_212 = arith.muli %add3A_210, %mul3A_211 : i32
      %add3A_213 = arith.constant 0 : i32
      %add3A_214 = arith.addi %mul3A_212, %add3A_213 : i32
      %sub3A = arith.constant 6 : i32
      %sub3A_215 = arith.subi %add3A_214, %sub3A : i32
      %dma_wait3A_216 = arith.constant 0 : i32
      %dma_wait3A_217 = tpu.memref_slice %arg8[%sub3A_215, %dma_wait3A_216] : memref<180x112xi32, #tpu.memory_space<vmem>> -> memref<1x112xi32, #tpu.memory_space<vmem>>
      %dma_wait3A_218 = tpu.memref_squeeze %dma_wait3A_217 : memref<1x112xi32, #tpu.memory_space<vmem>> -> memref<112xi32, #tpu.memory_space<vmem>>
      %dma_wait3A_219 = arith.constant 0 : i32
      %dma_wait3A_220 = arith.constant 0 : i32
      %dma_wait3A_221 = tpu.memref_slice %arg6[%dma_wait3A_219, %dma_wait3A_220] : memref<10112x64xf32, #tpu.memory_space<vmem_shared>> -> memref<10112x64xf32, #tpu.memory_space<vmem_shared>>
      tpu.wait_indirect_dma semaphore(%arg21 : memref<!tpu.dma_semaphore, #tpu.memory_space<semaphore_mem>>) src(%arg9 : memref<112x64xf32, #tpu.memory_space<vmem>>) dst(%dma_wait3A_221 : memref<10112x64xf32, #tpu.memory_space<vmem_shared>>)
      %add3A_222 = arith.constant 0 : i32
      %add3A_223 = arith.addi %mul3A_212, %add3A_222 : i32
      %dma_start3A_224 = arith.constant 0 : i32
      %dma_start3A_225 = tpu.memref_slice %arg7[%add3A_223, %dma_start3A_224] : memref<180x112xi32, #tpu.memory_space<vmem>> -> memref<1x112xi32, #tpu.memory_space<vmem>>
      %dma_start3A_226 = tpu.memref_squeeze %dma_start3A_225 : memref<1x112xi32, #tpu.memory_space<vmem>> -> memref<112xi32, #tpu.memory_space<vmem>>
      %dma_start3A_227 = arith.constant 0 : i32
      %dma_start3A_228 = arith.constant 0 : i32
      %dma_start3A_229 = tpu.memref_slice %arg2[%dma_start3A_227, %dma_start3A_228] : memref<20000x64xf32, #tpu.memory_space<hbm>> -> memref<20000x64xf32, #tpu.memory_space<hbm>>
      tpu.enqueue_indirect_dma source(%dma_start3A_229 : memref<20000x64xf32, #tpu.memory_space<hbm>>) target(%arg9 : memref<112x64xf32, #tpu.memory_space<vmem>>) offsets(%dma_start3A_226 : memref<112xi32, #tpu.memory_space<vmem>>) semaphore(%arg15 : memref<!tpu.dma_semaphore, #tpu.memory_space<semaphore_mem>>)
      %add3A_230 = arith.constant 1 : i32
      %add3A_231 = arith.addi %mul3A_212, %add3A_230 : i32
      %sub3A_232 = arith.constant 6 : i32
      %sub3A_233 = arith.subi %add3A_231, %sub3A_232 : i32
      %dma_wait3A_234 = arith.constant 0 : i32
      %dma_wait3A_235 = tpu.memref_slice %arg8[%sub3A_233, %dma_wait3A_234] : memref<180x112xi32, #tpu.memory_space<vmem>> -> memref<1x112xi32, #tpu.memory_space<vmem>>
      %dma_wait3A_236 = tpu.memref_squeeze %dma_wait3A_235 : memref<1x112xi32, #tpu.memory_space<vmem>> -> memref<112xi32, #tpu.memory_space<vmem>>
      %dma_wait3A_237 = arith.constant 0 : i32
      %dma_wait3A_238 = arith.constant 0 : i32
      %dma_wait3A_239 = tpu.memref_slice %arg6[%dma_wait3A_237, %dma_wait3A_238] : memref<10112x64xf32, #tpu.memory_space<vmem_shared>> -> memref<10112x64xf32, #tpu.memory_space<vmem_shared>>
      tpu.wait_indirect_dma semaphore(%arg22 : memref<!tpu.dma_semaphore, #tpu.memory_space<semaphore_mem>>) src(%arg10 : memref<112x64xf32, #tpu.memory_space<vmem>>) dst(%dma_wait3A_239 : memref<10112x64xf32, #tpu.memory_space<vmem_shared>>)
      %add3A_240 = arith.constant 1 : i32
      %add3A_241 = arith.addi %mul3A_212, %add3A_240 : i32
      %dma_start3A_242 = arith.constant 0 : i32
      %dma_start3A_243 = tpu.memref_slice %arg7[%add3A_241, %dma_start3A_242] : memref<180x112xi32, #tpu.memory_space<vmem>> -> memref<1x112xi32, #tpu.memory_space<vmem>>
      %dma_start3A_244 = tpu.memref_squeeze %dma_start3A_243 : memref<1x112xi32, #tpu.memory_space<vmem>> -> memref<112xi32, #tpu.memory_space<vmem>>
      %dma_start3A_245 = arith.constant 0 : i32
      %dma_start3A_246 = arith.constant 0 : i32
      %dma_start3A_247 = tpu.memref_slice %arg2[%dma_start3A_245, %dma_start3A_246] : memref<20000x64xf32, #tpu.memory_space<hbm>> -> memref<20000x64xf32, #tpu.memory_space<hbm>>
      tpu.enqueue_indirect_dma source(%dma_start3A_247 : memref<20000x64xf32, #tpu.memory_space<hbm>>) target(%arg10 : memref<112x64xf32, #tpu.memory_space<vmem>>) offsets(%dma_start3A_244 : memref<112xi32, #tpu.memory_space<vmem>>) semaphore(%arg16 : memref<!tpu.dma_semaphore, #tpu.memory_space<semaphore_mem>>)
      %add3A_248 = arith.constant 2 : i32
      %add3A_249 = arith.addi %mul3A_212, %add3A_248 : i32
      %sub3A_250 = arith.constant 6 : i32
      %sub3A_251 = arith.subi %add3A_249, %sub3A_250 : i32
      %dma_wait3A_252 = arith.constant 0 : i32
      %dma_wait3A_253 = tpu.memref_slice %arg8[%sub3A_251, %dma_wait3A_252] : memref<180x112xi32, #tpu.memory_space<vmem>> -> memref<1x112xi32, #tpu.memory_space<vmem>>
      %dma_wait3A_254 = tpu.memref_squeeze %dma_wait3A_253 : memref<1x112xi32, #tpu.memory_space<vmem>> -> memref<112xi32, #tpu.memory_space<vmem>>
      %dma_wait3A_255 = arith.constant 0 : i32
      %dma_wait3A_256 = arith.constant 0 : i32
      %dma_wait3A_257 = tpu.memref_slice %arg6[%dma_wait3A_255, %dma_wait3A_256] : memref<10112x64xf32, #tpu.memory_space<vmem_shared>> -> memref<10112x64xf32, #tpu.memory_space<vmem_shared>>
      tpu.wait_indirect_dma semaphore(%arg23 : memref<!tpu.dma_semaphore, #tpu.memory_space<semaphore_mem>>) src(%arg11 : memref<112x64xf32, #tpu.memory_space<vmem>>) dst(%dma_wait3A_257 : memref<10112x64xf32, #tpu.memory_space<vmem_shared>>)
      %add3A_258 = arith.constant 2 : i32
      %add3A_259 = arith.addi %mul3A_212, %add3A_258 : i32
      %dma_start3A_260 = arith.constant 0 : i32
      %dma_start3A_261 = tpu.memref_slice %arg7[%add3A_259, %dma_start3A_260] : memref<180x112xi32, #tpu.memory_space<vmem>> -> memref<1x112xi32, #tpu.memory_space<vmem>>
      %dma_start3A_262 = tpu.memref_squeeze %dma_start3A_261 : memref<1x112xi32, #tpu.memory_space<vmem>> -> memref<112xi32, #tpu.memory_space<vmem>>
      %dma_start3A_263 = arith.constant 0 : i32
      %dma_start3A_264 = arith.constant 0 : i32
      %dma_start3A_265 = tpu.memref_slice %arg2[%dma_start3A_263, %dma_start3A_264] : memref<20000x64xf32, #tpu.memory_space<hbm>> -> memref<20000x64xf32, #tpu.memory_space<hbm>>
      tpu.enqueue_indirect_dma source(%dma_start3A_265 : memref<20000x64xf32, #tpu.memory_space<hbm>>) target(%arg11 : memref<112x64xf32, #tpu.memory_space<vmem>>) offsets(%dma_start3A_262 : memref<112xi32, #tpu.memory_space<vmem>>) semaphore(%arg17 : memref<!tpu.dma_semaphore, #tpu.memory_space<semaphore_mem>>)
      %add3A_266 = arith.constant 0 : i32
      %add3A_267 = arith.addi %mul3A_212, %add3A_266 : i32
      %dma_wait3A_268 = arith.constant 0 : i32
      %dma_wait3A_269 = tpu.memref_slice %arg7[%add3A_267, %dma_wait3A_268] : memref<180x112xi32, #tpu.memory_space<vmem>> -> memref<1x112xi32, #tpu.memory_space<vmem>>
      %dma_wait3A_270 = tpu.memref_squeeze %dma_wait3A_269 : memref<1x112xi32, #tpu.memory_space<vmem>> -> memref<112xi32, #tpu.memory_space<vmem>>
      %dma_wait3A_271 = arith.constant 0 : i32
      %dma_wait3A_272 = arith.constant 0 : i32
      %dma_wait3A_273 = tpu.memref_slice %arg2[%dma_wait3A_271, %dma_wait3A_272] : memref<20000x64xf32, #tpu.memory_space<hbm>> -> memref<20000x64xf32, #tpu.memory_space<hbm>>
      tpu.wait_indirect_dma semaphore(%arg15 : memref<!tpu.dma_semaphore, #tpu.memory_space<semaphore_mem>>) src(%dma_wait3A_273 : memref<20000x64xf32, #tpu.memory_space<hbm>>) dst(%arg9 : memref<112x64xf32, #tpu.memory_space<vmem>>)
      %add3A_274 = arith.constant 0 : i32
      %add3A_275 = arith.addi %mul3A_212, %add3A_274 : i32
      %dma_start3A_276 = arith.constant 0 : i32
      %dma_start3A_277 = tpu.memref_slice %arg8[%add3A_275, %dma_start3A_276] : memref<180x112xi32, #tpu.memory_space<vmem>> -> memref<1x112xi32, #tpu.memory_space<vmem>>
      %dma_start3A_278 = tpu.memref_squeeze %dma_start3A_277 : memref<1x112xi32, #tpu.memory_space<vmem>> -> memref<112xi32, #tpu.memory_space<vmem>>
      %dma_start3A_279 = arith.constant 0 : i32
      %dma_start3A_280 = arith.constant 0 : i32
      %dma_start3A_281 = tpu.memref_slice %arg6[%dma_start3A_279, %dma_start3A_280] : memref<10112x64xf32, #tpu.memory_space<vmem_shared>> -> memref<10112x64xf32, #tpu.memory_space<vmem_shared>>
      tpu.enqueue_indirect_dma source(%arg9 : memref<112x64xf32, #tpu.memory_space<vmem>>) target(%dma_start3A_281 : memref<10112x64xf32, #tpu.memory_space<vmem_shared>>) offsets(%dma_start3A_278 : memref<112xi32, #tpu.memory_space<vmem>>) semaphore(%arg21 : memref<!tpu.dma_semaphore, #tpu.memory_space<semaphore_mem>>) {add = true}
      %add3A_282 = arith.constant 1 : i32
      %add3A_283 = arith.addi %mul3A_212, %add3A_282 : i32
      %dma_wait3A_284 = arith.constant 0 : i32
      %dma_wait3A_285 = tpu.memref_slice %arg7[%add3A_283, %dma_wait3A_284] : memref<180x112xi32, #tpu.memory_space<vmem>> -> memref<1x112xi32, #tpu.memory_space<vmem>>
      %dma_wait3A_286 = tpu.memref_squeeze %dma_wait3A_285 : memref<1x112xi32, #tpu.memory_space<vmem>> -> memref<112xi32, #tpu.memory_space<vmem>>
      %dma_wait3A_287 = arith.constant 0 : i32
      %dma_wait3A_288 = arith.constant 0 : i32
      %dma_wait3A_289 = tpu.memref_slice %arg2[%dma_wait3A_287, %dma_wait3A_288] : memref<20000x64xf32, #tpu.memory_space<hbm>> -> memref<20000x64xf32, #tpu.memory_space<hbm>>
      tpu.wait_indirect_dma semaphore(%arg16 : memref<!tpu.dma_semaphore, #tpu.memory_space<semaphore_mem>>) src(%dma_wait3A_289 : memref<20000x64xf32, #tpu.memory_space<hbm>>) dst(%arg10 : memref<112x64xf32, #tpu.memory_space<vmem>>)
      %add3A_290 = arith.constant 1 : i32
      %add3A_291 = arith.addi %mul3A_212, %add3A_290 : i32
      %dma_start3A_292 = arith.constant 0 : i32
      %dma_start3A_293 = tpu.memref_slice %arg8[%add3A_291, %dma_start3A_292] : memref<180x112xi32, #tpu.memory_space<vmem>> -> memref<1x112xi32, #tpu.memory_space<vmem>>
      %dma_start3A_294 = tpu.memref_squeeze %dma_start3A_293 : memref<1x112xi32, #tpu.memory_space<vmem>> -> memref<112xi32, #tpu.memory_space<vmem>>
      %dma_start3A_295 = arith.constant 0 : i32
      %dma_start3A_296 = arith.constant 0 : i32
      %dma_start3A_297 = tpu.memref_slice %arg6[%dma_start3A_295, %dma_start3A_296] : memref<10112x64xf32, #tpu.memory_space<vmem_shared>> -> memref<10112x64xf32, #tpu.memory_space<vmem_shared>>
      tpu.enqueue_indirect_dma source(%arg10 : memref<112x64xf32, #tpu.memory_space<vmem>>) target(%dma_start3A_297 : memref<10112x64xf32, #tpu.memory_space<vmem_shared>>) offsets(%dma_start3A_294 : memref<112xi32, #tpu.memory_space<vmem>>) semaphore(%arg22 : memref<!tpu.dma_semaphore, #tpu.memory_space<semaphore_mem>>) {add = true}
      %add3A_298 = arith.constant 2 : i32
      %add3A_299 = arith.addi %mul3A_212, %add3A_298 : i32
      %dma_wait3A_300 = arith.constant 0 : i32
      %dma_wait3A_301 = tpu.memref_slice %arg7[%add3A_299, %dma_wait3A_300] : memref<180x112xi32, #tpu.memory_space<vmem>> -> memref<1x112xi32, #tpu.memory_space<vmem>>
      %dma_wait3A_302 = tpu.memref_squeeze %dma_wait3A_301 : memref<1x112xi32, #tpu.memory_space<vmem>> -> memref<112xi32, #tpu.memory_space<vmem>>
      %dma_wait3A_303 = arith.constant 0 : i32
      %dma_wait3A_304 = arith.constant 0 : i32
      %dma_wait3A_305 = tpu.memref_slice %arg2[%dma_wait3A_303, %dma_wait3A_304] : memref<20000x64xf32, #tpu.memory_space<hbm>> -> memref<20000x64xf32, #tpu.memory_space<hbm>>
      tpu.wait_indirect_dma semaphore(%arg17 : memref<!tpu.dma_semaphore, #tpu.memory_space<semaphore_mem>>) src(%dma_wait3A_305 : memref<20000x64xf32, #tpu.memory_space<hbm>>) dst(%arg11 : memref<112x64xf32, #tpu.memory_space<vmem>>)
      %add3A_306 = arith.constant 2 : i32
      %add3A_307 = arith.addi %mul3A_212, %add3A_306 : i32
      %dma_start3A_308 = arith.constant 0 : i32
      %dma_start3A_309 = tpu.memref_slice %arg8[%add3A_307, %dma_start3A_308] : memref<180x112xi32, #tpu.memory_space<vmem>> -> memref<1x112xi32, #tpu.memory_space<vmem>>
      %dma_start3A_310 = tpu.memref_squeeze %dma_start3A_309 : memref<1x112xi32, #tpu.memory_space<vmem>> -> memref<112xi32, #tpu.memory_space<vmem>>
      %dma_start3A_311 = arith.constant 0 : i32
      %dma_start3A_312 = arith.constant 0 : i32
      %dma_start3A_313 = tpu.memref_slice %arg6[%dma_start3A_311, %dma_start3A_312] : memref<10112x64xf32, #tpu.memory_space<vmem_shared>> -> memref<10112x64xf32, #tpu.memory_space<vmem_shared>>
      tpu.enqueue_indirect_dma source(%arg11 : memref<112x64xf32, #tpu.memory_space<vmem>>) target(%dma_start3A_313 : memref<10112x64xf32, #tpu.memory_space<vmem_shared>>) offsets(%dma_start3A_310 : memref<112xi32, #tpu.memory_space<vmem>>) semaphore(%arg23 : memref<!tpu.dma_semaphore, #tpu.memory_space<semaphore_mem>>) {add = true}
      %mul3A_314 = arith.constant 2 : i32
      %mul3A_315 = arith.muli %mul3A_314, %scan3A_205 : i32
      %add3A_316 = arith.constant 1 : i32
      %add3A_317 = arith.addi %mul3A_315, %add3A_316 : i32
      %mul3A_318 = arith.constant 3 : i32
      %mul3A_319 = arith.muli %add3A_317, %mul3A_318 : i32
      %add3A_320 = arith.constant 0 : i32
      %add3A_321 = arith.addi %mul3A_319, %add3A_320 : i32
      %sub3A_322 = arith.constant 6 : i32
      %sub3A_323 = arith.subi %add3A_321, %sub3A_322 : i32
      %dma_wait3A_324 = arith.constant 0 : i32
      %dma_wait3A_325 = tpu.memref_slice %arg8[%sub3A_323, %dma_wait3A_324] : memref<180x112xi32, #tpu.memory_space<vmem>> -> memref<1x112xi32, #tpu.memory_space<vmem>>
      %dma_wait3A_326 = tpu.memref_squeeze %dma_wait3A_325 : memref<1x112xi32, #tpu.memory_space<vmem>> -> memref<112xi32, #tpu.memory_space<vmem>>
      %dma_wait3A_327 = arith.constant 0 : i32
      %dma_wait3A_328 = arith.constant 0 : i32
      %dma_wait3A_329 = tpu.memref_slice %arg6[%dma_wait3A_327, %dma_wait3A_328] : memref<10112x64xf32, #tpu.memory_space<vmem_shared>> -> memref<10112x64xf32, #tpu.memory_space<vmem_shared>>
      tpu.wait_indirect_dma semaphore(%arg24 : memref<!tpu.dma_semaphore, #tpu.memory_space<semaphore_mem>>) src(%arg12 : memref<112x64xf32, #tpu.memory_space<vmem>>) dst(%dma_wait3A_329 : memref<10112x64xf32, #tpu.memory_space<vmem_shared>>)
      %add3A_330 = arith.constant 0 : i32
      %add3A_331 = arith.addi %mul3A_319, %add3A_330 : i32
      %dma_start3A_332 = arith.constant 0 : i32
      %dma_start3A_333 = tpu.memref_slice %arg7[%add3A_331, %dma_start3A_332] : memref<180x112xi32, #tpu.memory_space<vmem>> -> memref<1x112xi32, #tpu.memory_space<vmem>>
      %dma_start3A_334 = tpu.memref_squeeze %dma_start3A_333 : memref<1x112xi32, #tpu.memory_space<vmem>> -> memref<112xi32, #tpu.memory_space<vmem>>
      %dma_start3A_335 = arith.constant 0 : i32
      %dma_start3A_336 = arith.constant 0 : i32
      %dma_start3A_337 = tpu.memref_slice %arg2[%dma_start3A_335, %dma_start3A_336] : memref<20000x64xf32, #tpu.memory_space<hbm>> -> memref<20000x64xf32, #tpu.memory_space<hbm>>
      tpu.enqueue_indirect_dma source(%dma_start3A_337 : memref<20000x64xf32, #tpu.memory_space<hbm>>) target(%arg12 : memref<112x64xf32, #tpu.memory_space<vmem>>) offsets(%dma_start3A_334 : memref<112xi32, #tpu.memory_space<vmem>>) semaphore(%arg18 : memref<!tpu.dma_semaphore, #tpu.memory_space<semaphore_mem>>)
      %add3A_338 = arith.constant 1 : i32
      %add3A_339 = arith.addi %mul3A_319, %add3A_338 : i32
      %sub3A_340 = arith.constant 6 : i32
      %sub3A_341 = arith.subi %add3A_339, %sub3A_340 : i32
      %dma_wait3A_342 = arith.constant 0 : i32
      %dma_wait3A_343 = tpu.memref_slice %arg8[%sub3A_341, %dma_wait3A_342] : memref<180x112xi32, #tpu.memory_space<vmem>> -> memref<1x112xi32, #tpu.memory_space<vmem>>
      %dma_wait3A_344 = tpu.memref_squeeze %dma_wait3A_343 : memref<1x112xi32, #tpu.memory_space<vmem>> -> memref<112xi32, #tpu.memory_space<vmem>>
      %dma_wait3A_345 = arith.constant 0 : i32
      %dma_wait3A_346 = arith.constant 0 : i32
      %dma_wait3A_347 = tpu.memref_slice %arg6[%dma_wait3A_345, %dma_wait3A_346] : memref<10112x64xf32, #tpu.memory_space<vmem_shared>> -> memref<10112x64xf32, #tpu.memory_space<vmem_shared>>
      tpu.wait_indirect_dma semaphore(%arg25 : memref<!tpu.dma_semaphore, #tpu.memory_space<semaphore_mem>>) src(%arg13 : memref<112x64xf32, #tpu.memory_space<vmem>>) dst(%dma_wait3A_347 : memref<10112x64xf32, #tpu.memory_space<vmem_shared>>)
      %add3A_348 = arith.constant 1 : i32
      %add3A_349 = arith.addi %mul3A_319, %add3A_348 : i32
      %dma_start3A_350 = arith.constant 0 : i32
      %dma_start3A_351 = tpu.memref_slice %arg7[%add3A_349, %dma_start3A_350] : memref<180x112xi32, #tpu.memory_space<vmem>> -> memref<1x112xi32, #tpu.memory_space<vmem>>
      %dma_start3A_352 = tpu.memref_squeeze %dma_start3A_351 : memref<1x112xi32, #tpu.memory_space<vmem>> -> memref<112xi32, #tpu.memory_space<vmem>>
      %dma_start3A_353 = arith.constant 0 : i32
      %dma_start3A_354 = arith.constant 0 : i32
      %dma_start3A_355 = tpu.memref_slice %arg2[%dma_start3A_353, %dma_start3A_354] : memref<20000x64xf32, #tpu.memory_space<hbm>> -> memref<20000x64xf32, #tpu.memory_space<hbm>>
      tpu.enqueue_indirect_dma source(%dma_start3A_355 : memref<20000x64xf32, #tpu.memory_space<hbm>>) target(%arg13 : memref<112x64xf32, #tpu.memory_space<vmem>>) offsets(%dma_start3A_352 : memref<112xi32, #tpu.memory_space<vmem>>) semaphore(%arg19 : memref<!tpu.dma_semaphore, #tpu.memory_space<semaphore_mem>>)
      %add3A_356 = arith.constant 2 : i32
      %add3A_357 = arith.addi %mul3A_319, %add3A_356 : i32
      %sub3A_358 = arith.constant 6 : i32
      %sub3A_359 = arith.subi %add3A_357, %sub3A_358 : i32
      %dma_wait3A_360 = arith.constant 0 : i32
      %dma_wait3A_361 = tpu.memref_slice %arg8[%sub3A_359, %dma_wait3A_360] : memref<180x112xi32, #tpu.memory_space<vmem>> -> memref<1x112xi32, #tpu.memory_space<vmem>>
      %dma_wait3A_362 = tpu.memref_squeeze %dma_wait3A_361 : memref<1x112xi32, #tpu.memory_space<vmem>> -> memref<112xi32, #tpu.memory_space<vmem>>
      %dma_wait3A_363 = arith.constant 0 : i32
      %dma_wait3A_364 = arith.constant 0 : i32
      %dma_wait3A_365 = tpu.memref_slice %arg6[%dma_wait3A_363, %dma_wait3A_364] : memref<10112x64xf32, #tpu.memory_space<vmem_shared>> -> memref<10112x64xf32, #tpu.memory_space<vmem_shared>>
      tpu.wait_indirect_dma semaphore(%arg26 : memref<!tpu.dma_semaphore, #tpu.memory_space<semaphore_mem>>) src(%arg14 : memref<112x64xf32, #tpu.memory_space<vmem>>) dst(%dma_wait3A_365 : memref<10112x64xf32, #tpu.memory_space<vmem_shared>>)
      %add3A_366 = arith.constant 2 : i32
      %add3A_367 = arith.addi %mul3A_319, %add3A_366 : i32
      %dma_start3A_368 = arith.constant 0 : i32
      %dma_start3A_369 = tpu.memref_slice %arg7[%add3A_367, %dma_start3A_368] : memref<180x112xi32, #tpu.memory_space<vmem>> -> memref<1x112xi32, #tpu.memory_space<vmem>>
      %dma_start3A_370 = tpu.memref_squeeze %dma_start3A_369 : memref<1x112xi32, #tpu.memory_space<vmem>> -> memref<112xi32, #tpu.memory_space<vmem>>
      %dma_start3A_371 = arith.constant 0 : i32
      %dma_start3A_372 = arith.constant 0 : i32
      %dma_start3A_373 = tpu.memref_slice %arg2[%dma_start3A_371, %dma_start3A_372] : memref<20000x64xf32, #tpu.memory_space<hbm>> -> memref<20000x64xf32, #tpu.memory_space<hbm>>
      tpu.enqueue_indirect_dma source(%dma_start3A_373 : memref<20000x64xf32, #tpu.memory_space<hbm>>) target(%arg14 : memref<112x64xf32, #tpu.memory_space<vmem>>) offsets(%dma_start3A_370 : memref<112xi32, #tpu.memory_space<vmem>>) semaphore(%arg20 : memref<!tpu.dma_semaphore, #tpu.memory_space<semaphore_mem>>)
      %add3A_374 = arith.constant 0 : i32
      %add3A_375 = arith.addi %mul3A_319, %add3A_374 : i32
      %dma_wait3A_376 = arith.constant 0 : i32
      %dma_wait3A_377 = tpu.memref_slice %arg7[%add3A_375, %dma_wait3A_376] : memref<180x112xi32, #tpu.memory_space<vmem>> -> memref<1x112xi32, #tpu.memory_space<vmem>>
      %dma_wait3A_378 = tpu.memref_squeeze %dma_wait3A_377 : memref<1x112xi32, #tpu.memory_space<vmem>> -> memref<112xi32, #tpu.memory_space<vmem>>
      %dma_wait3A_379 = arith.constant 0 : i32
      %dma_wait3A_380 = arith.constant 0 : i32
      %dma_wait3A_381 = tpu.memref_slice %arg2[%dma_wait3A_379, %dma_wait3A_380] : memref<20000x64xf32, #tpu.memory_space<hbm>> -> memref<20000x64xf32, #tpu.memory_space<hbm>>
      tpu.wait_indirect_dma semaphore(%arg18 : memref<!tpu.dma_semaphore, #tpu.memory_space<semaphore_mem>>) src(%dma_wait3A_381 : memref<20000x64xf32, #tpu.memory_space<hbm>>) dst(%arg12 : memref<112x64xf32, #tpu.memory_space<vmem>>)
      %add3A_382 = arith.constant 0 : i32
      %add3A_383 = arith.addi %mul3A_319, %add3A_382 : i32
      %dma_start3A_384 = arith.constant 0 : i32
      %dma_start3A_385 = tpu.memref_slice %arg8[%add3A_383, %dma_start3A_384] : memref<180x112xi32, #tpu.memory_space<vmem>> -> memref<1x112xi32, #tpu.memory_space<vmem>>
      %dma_start3A_386 = tpu.memref_squeeze %dma_start3A_385 : memref<1x112xi32, #tpu.memory_space<vmem>> -> memref<112xi32, #tpu.memory_space<vmem>>
      %dma_start3A_387 = arith.constant 0 : i32
      %dma_start3A_388 = arith.constant 0 : i32
      %dma_start3A_389 = tpu.memref_slice %arg6[%dma_start3A_387, %dma_start3A_388] : memref<10112x64xf32, #tpu.memory_space<vmem_shared>> -> memref<10112x64xf32, #tpu.memory_space<vmem_shared>>
      tpu.enqueue_indirect_dma source(%arg12 : memref<112x64xf32, #tpu.memory_space<vmem>>) target(%dma_start3A_389 : memref<10112x64xf32, #tpu.memory_space<vmem_shared>>) offsets(%dma_start3A_386 : memref<112xi32, #tpu.memory_space<vmem>>) semaphore(%arg24 : memref<!tpu.dma_semaphore, #tpu.memory_space<semaphore_mem>>) {add = true}
      %add3A_390 = arith.constant 1 : i32
      %add3A_391 = arith.addi %mul3A_319, %add3A_390 : i32
      %dma_wait3A_392 = arith.constant 0 : i32
      %dma_wait3A_393 = tpu.memref_slice %arg7[%add3A_391, %dma_wait3A_392] : memref<180x112xi32, #tpu.memory_space<vmem>> -> memref<1x112xi32, #tpu.memory_space<vmem>>
      %dma_wait3A_394 = tpu.memref_squeeze %dma_wait3A_393 : memref<1x112xi32, #tpu.memory_space<vmem>> -> memref<112xi32, #tpu.memory_space<vmem>>
      %dma_wait3A_395 = arith.constant 0 : i32
      %dma_wait3A_396 = arith.constant 0 : i32
      %dma_wait3A_397 = tpu.memref_slice %arg2[%dma_wait3A_395, %dma_wait3A_396] : memref<20000x64xf32, #tpu.memory_space<hbm>> -> memref<20000x64xf32, #tpu.memory_space<hbm>>
      tpu.wait_indirect_dma semaphore(%arg19 : memref<!tpu.dma_semaphore, #tpu.memory_space<semaphore_mem>>) src(%dma_wait3A_397 : memref<20000x64xf32, #tpu.memory_space<hbm>>) dst(%arg13 : memref<112x64xf32, #tpu.memory_space<vmem>>)
      %add3A_398 = arith.constant 1 : i32
      %add3A_399 = arith.addi %mul3A_319, %add3A_398 : i32
      %dma_start3A_400 = arith.constant 0 : i32
      %dma_start3A_401 = tpu.memref_slice %arg8[%add3A_399, %dma_start3A_400] : memref<180x112xi32, #tpu.memory_space<vmem>> -> memref<1x112xi32, #tpu.memory_space<vmem>>
      %dma_start3A_402 = tpu.memref_squeeze %dma_start3A_401 : memref<1x112xi32, #tpu.memory_space<vmem>> -> memref<112xi32, #tpu.memory_space<vmem>>
      %dma_start3A_403 = arith.constant 0 : i32
      %dma_start3A_404 = arith.constant 0 : i32
      %dma_start3A_405 = tpu.memref_slice %arg6[%dma_start3A_403, %dma_start3A_404] : memref<10112x64xf32, #tpu.memory_space<vmem_shared>> -> memref<10112x64xf32, #tpu.memory_space<vmem_shared>>
      tpu.enqueue_indirect_dma source(%arg13 : memref<112x64xf32, #tpu.memory_space<vmem>>) target(%dma_start3A_405 : memref<10112x64xf32, #tpu.memory_space<vmem_shared>>) offsets(%dma_start3A_402 : memref<112xi32, #tpu.memory_space<vmem>>) semaphore(%arg25 : memref<!tpu.dma_semaphore, #tpu.memory_space<semaphore_mem>>) {add = true}
      %add3A_406 = arith.constant 2 : i32
      %add3A_407 = arith.addi %mul3A_319, %add3A_406 : i32
      %dma_wait3A_408 = arith.constant 0 : i32
      %dma_wait3A_409 = tpu.memref_slice %arg7[%add3A_407, %dma_wait3A_408] : memref<180x112xi32, #tpu.memory_space<vmem>> -> memref<1x112xi32, #tpu.memory_space<vmem>>
      %dma_wait3A_410 = tpu.memref_squeeze %dma_wait3A_409 : memref<1x112xi32, #tpu.memory_space<vmem>> -> memref<112xi32, #tpu.memory_space<vmem>>
      %dma_wait3A_411 = arith.constant 0 : i32
      %dma_wait3A_412 = arith.constant 0 : i32
      %dma_wait3A_413 = tpu.memref_slice %arg2[%dma_wait3A_411, %dma_wait3A_412] : memref<20000x64xf32, #tpu.memory_space<hbm>> -> memref<20000x64xf32, #tpu.memory_space<hbm>>
      tpu.wait_indirect_dma semaphore(%arg20 : memref<!tpu.dma_semaphore, #tpu.memory_space<semaphore_mem>>) src(%dma_wait3A_413 : memref<20000x64xf32, #tpu.memory_space<hbm>>) dst(%arg14 : memref<112x64xf32, #tpu.memory_space<vmem>>)
      %add3A_414 = arith.constant 2 : i32
      %add3A_415 = arith.addi %mul3A_319, %add3A_414 : i32
      %dma_start3A_416 = arith.constant 0 : i32
      %dma_start3A_417 = tpu.memref_slice %arg8[%add3A_415, %dma_start3A_416] : memref<180x112xi32, #tpu.memory_space<vmem>> -> memref<1x112xi32, #tpu.memory_space<vmem>>
      %dma_start3A_418 = tpu.memref_squeeze %dma_start3A_417 : memref<1x112xi32, #tpu.memory_space<vmem>> -> memref<112xi32, #tpu.memory_space<vmem>>
      %dma_start3A_419 = arith.constant 0 : i32
      %dma_start3A_420 = arith.constant 0 : i32
      %dma_start3A_421 = tpu.memref_slice %arg6[%dma_start3A_419, %dma_start3A_420] : memref<10112x64xf32, #tpu.memory_space<vmem_shared>> -> memref<10112x64xf32, #tpu.memory_space<vmem_shared>>
      tpu.enqueue_indirect_dma source(%arg14 : memref<112x64xf32, #tpu.memory_space<vmem>>) target(%dma_start3A_421 : memref<10112x64xf32, #tpu.memory_space<vmem_shared>>) offsets(%dma_start3A_418 : memref<112xi32, #tpu.memory_space<vmem>>) semaphore(%arg26 : memref<!tpu.dma_semaphore, #tpu.memory_space<semaphore_mem>>) {add = true}
      %scan3A_422 = arith.constant 0 : i32
      scf.yield %scan3A_422 : i32
    }
    %scan3A_156 = arith.constant 29 : i32
    %dma_wait3A_157 = arith.constant 174 : i32
    %dma_wait3A_158 = arith.constant 0 : i32
    %dma_wait3A_159 = tpu.memref_slice %arg8[%dma_wait3A_157, %dma_wait3A_158] : memref<180x112xi32, #tpu.memory_space<vmem>> -> memref<1x112xi32, #tpu.memory_space<vmem>>
    %dma_wait3A_160 = tpu.memref_squeeze %dma_wait3A_159 : memref<1x112xi32, #tpu.memory_space<vmem>> -> memref<112xi32, #tpu.memory_space<vmem>>
    %dma_wait3A_161 = arith.constant 0 : i32
    %dma_wait3A_162 = arith.constant 0 : i32
    %dma_wait3A_163 = tpu.memref_slice %arg6[%dma_wait3A_161, %dma_wait3A_162] : memref<10112x64xf32, #tpu.memory_space<vmem_shared>> -> memref<10112x64xf32, #tpu.memory_space<vmem_shared>>
    tpu.wait_indirect_dma semaphore(%arg21 : memref<!tpu.dma_semaphore, #tpu.memory_space<semaphore_mem>>) src(%arg9 : memref<112x64xf32, #tpu.memory_space<vmem>>) dst(%dma_wait3A_163 : memref<10112x64xf32, #tpu.memory_space<vmem_shared>>)
    %dma_wait3A_164 = arith.constant 175 : i32
    %dma_wait3A_165 = arith.constant 0 : i32
    %dma_wait3A_166 = tpu.memref_slice %arg8[%dma_wait3A_164, %dma_wait3A_165] : memref<180x112xi32, #tpu.memory_space<vmem>> -> memref<1x112xi32, #tpu.memory_space<vmem>>
    %dma_wait3A_167 = tpu.memref_squeeze %dma_wait3A_166 : memref<1x112xi32, #tpu.memory_space<vmem>> -> memref<112xi32, #tpu.memory_space<vmem>>
    %dma_wait3A_168 = arith.constant 0 : i32
    %dma_wait3A_169 = arith.constant 0 : i32
    %dma_wait3A_170 = tpu.memref_slice %arg6[%dma_wait3A_168, %dma_wait3A_169] : memref<10112x64xf32, #tpu.memory_space<vmem_shared>> -> memref<10112x64xf32, #tpu.memory_space<vmem_shared>>
    tpu.wait_indirect_dma semaphore(%arg22 : memref<!tpu.dma_semaphore, #tpu.memory_space<semaphore_mem>>) src(%arg10 : memref<112x64xf32, #tpu.memory_space<vmem>>) dst(%dma_wait3A_170 : memref<10112x64xf32, #tpu.memory_space<vmem_shared>>)
    %dma_wait3A_171 = arith.constant 176 : i32
    %dma_wait3A_172 = arith.constant 0 : i32
    %dma_wait3A_173 = tpu.memref_slice %arg8[%dma_wait3A_171, %dma_wait3A_172] : memref<180x112xi32, #tpu.memory_space<vmem>> -> memref<1x112xi32, #tpu.memory_space<vmem>>
    %dma_wait3A_174 = tpu.memref_squeeze %dma_wait3A_173 : memref<1x112xi32, #tpu.memory_space<vmem>> -> memref<112xi32, #tpu.memory_space<vmem>>
    %dma_wait3A_175 = arith.constant 0 : i32
    %dma_wait3A_176 = arith.constant 0 : i32
    %dma_wait3A_177 = tpu.memref_slice %arg6[%dma_wait3A_175, %dma_wait3A_176] : memref<10112x64xf32, #tpu.memory_space<vmem_shared>> -> memref<10112x64xf32, #tpu.memory_space<vmem_shared>>
    tpu.wait_indirect_dma semaphore(%arg23 : memref<!tpu.dma_semaphore, #tpu.memory_space<semaphore_mem>>) src(%arg11 : memref<112x64xf32, #tpu.memory_space<vmem>>) dst(%dma_wait3A_177 : memref<10112x64xf32, #tpu.memory_space<vmem_shared>>)
    %dma_wait3A_178 = arith.constant 177 : i32
    %dma_wait3A_179 = arith.constant 0 : i32
    %dma_wait3A_180 = tpu.memref_slice %arg8[%dma_wait3A_178, %dma_wait3A_179] : memref<180x112xi32, #tpu.memory_space<vmem>> -> memref<1x112xi32, #tpu.memory_space<vmem>>
    %dma_wait3A_181 = tpu.memref_squeeze %dma_wait3A_180 : memref<1x112xi32, #tpu.memory_space<vmem>> -> memref<112xi32, #tpu.memory_space<vmem>>
    %dma_wait3A_182 = arith.constant 0 : i32
    %dma_wait3A_183 = arith.constant 0 : i32
    %dma_wait3A_184 = tpu.memref_slice %arg6[%dma_wait3A_182, %dma_wait3A_183] : memref<10112x64xf32, #tpu.memory_space<vmem_shared>> -> memref<10112x64xf32, #tpu.memory_space<vmem_shared>>
    tpu.wait_indirect_dma semaphore(%arg24 : memref<!tpu.dma_semaphore, #tpu.memory_space<semaphore_mem>>) src(%arg12 : memref<112x64xf32, #tpu.memory_space<vmem>>) dst(%dma_wait3A_184 : memref<10112x64xf32, #tpu.memory_space<vmem_shared>>)
    %dma_wait3A_185 = arith.constant 178 : i32
    %dma_wait3A_186 = arith.constant 0 : i32
    %dma_wait3A_187 = tpu.memref_slice %arg8[%dma_wait3A_185, %dma_wait3A_186] : memref<180x112xi32, #tpu.memory_space<vmem>> -> memref<1x112xi32, #tpu.memory_space<vmem>>
    %dma_wait3A_188 = tpu.memref_squeeze %dma_wait3A_187 : memref<1x112xi32, #tpu.memory_space<vmem>> -> memref<112xi32, #tpu.memory_space<vmem>>
    %dma_wait3A_189 = arith.constant 0 : i32
    %dma_wait3A_190 = arith.constant 0 : i32
    %dma_wait3A_191 = tpu.memref_slice %arg6[%dma_wait3A_189, %dma_wait3A_190] : memref<10112x64xf32, #tpu.memory_space<vmem_shared>> -> memref<10112x64xf32, #tpu.memory_space<vmem_shared>>
    tpu.wait_indirect_dma semaphore(%arg25 : memref<!tpu.dma_semaphore, #tpu.memory_space<semaphore_mem>>) src(%arg13 : memref<112x64xf32, #tpu.memory_space<vmem>>) dst(%dma_wait3A_191 : memref<10112x64xf32, #tpu.memory_space<vmem_shared>>)
    %dma_wait3A_192 = arith.constant 179 : i32
    %dma_wait3A_193 = arith.constant 0 : i32
    %dma_wait3A_194 = tpu.memref_slice %arg8[%dma_wait3A_192, %dma_wait3A_193] : memref<180x112xi32, #tpu.memory_space<vmem>> -> memref<1x112xi32, #tpu.memory_space<vmem>>
    %dma_wait3A_195 = tpu.memref_squeeze %dma_wait3A_194 : memref<1x112xi32, #tpu.memory_space<vmem>> -> memref<112xi32, #tpu.memory_space<vmem>>
    %dma_wait3A_196 = arith.constant 0 : i32
    %dma_wait3A_197 = arith.constant 0 : i32
    %dma_wait3A_198 = tpu.memref_slice %arg6[%dma_wait3A_196, %dma_wait3A_197] : memref<10112x64xf32, #tpu.memory_space<vmem_shared>> -> memref<10112x64xf32, #tpu.memory_space<vmem_shared>>
    tpu.wait_indirect_dma semaphore(%arg26 : memref<!tpu.dma_semaphore, #tpu.memory_space<semaphore_mem>>) src(%arg14 : memref<112x64xf32, #tpu.memory_space<vmem>>) dst(%dma_wait3A_198 : memref<10112x64xf32, #tpu.memory_space<vmem_shared>>)
    %barrier3A_199 = arith.constant 0 : index
    tpu.barrier barrier_id(%barrier3A_199)
    %mul3A_200 = arith.constant 632 : i32
    %mul3A_201 = arith.muli %arg1, %mul3A_200 : i32
    %mul3A_202 = arith.constant 10112 : i32
    %mul3A_203 = arith.muli %arg0, %mul3A_202 : i32
    %add3A_204 = arith.addi %mul3A_203, %mul3A_201 : i32
    "tpu.region"() ({
      %run_scoped3A = tpu.sem_alloc : memref<!tpu.dma_semaphore, #tpu.memory_space<semaphore_mem>>
      %dma_start3A_205 = arith.constant 0 : i32
      %dma_start3A_206 = tpu.memref_slice %arg5[%add3A_204, %dma_start3A_205] : memref<20224x64xf32, #tpu.memory_space<hbm>> -> memref<632x64xf32, #tpu.memory_space<hbm>>
      %dma_start3A_207 = arith.constant 0 : i32
      %dma_start3A_208 = tpu.memref_slice %arg6[%mul3A_201, %dma_start3A_207] : memref<10112x64xf32, #tpu.memory_space<vmem_shared>> -> memref<632x64xf32, #tpu.memory_space<vmem_shared>>
      tpu.enqueue_dma source(%dma_start3A_208 : memref<632x64xf32, #tpu.memory_space<vmem_shared>>) target(%dma_start3A_206 : memref<632x64xf32, #tpu.memory_space<hbm>>) target_semaphore(%run_scoped3A : memref<!tpu.dma_semaphore, #tpu.memory_space<semaphore_mem>>)
      %dma_wait3A_209 = arith.constant 0 : i32
      %dma_wait3A_210 = tpu.memref_slice %arg5[%add3A_204, %dma_wait3A_209] : memref<20224x64xf32, #tpu.memory_space<hbm>> -> memref<632x64xf32, #tpu.memory_space<hbm>>
      %dma_wait3A_211 = arith.constant 0 : i32
      %dma_wait3A_212 = tpu.memref_slice %arg6[%mul3A_201, %dma_wait3A_211] : memref<10112x64xf32, #tpu.memory_space<vmem_shared>> -> memref<632x64xf32, #tpu.memory_space<vmem_shared>>
      tpu.wait_dma2 semaphore(%run_scoped3A : memref<!tpu.dma_semaphore, #tpu.memory_space<semaphore_mem>>) src(%dma_wait3A_212 : memref<632x64xf32, #tpu.memory_space<vmem_shared>>) dst(%dma_wait3A_210 : memref<632x64xf32, #tpu.memory_space<hbm>>)
      tpu.yield
    }) : () -> ()
    return
  }
}

module attributes {stable_mosaic.version = 14 : i64} {
  func.func @_matmul_body(%arg0: i32, %arg1: memref<2000x128xf32, #tpu.memory_space<vmem>>, %arg2: memref<128x128xf32, #tpu.memory_space<vmem>>, %arg3: memref<2000x128xf32, #tpu.memory_space<vmem>>) attributes {dimension_semantics = [#tpu.dimension_semantics<arbitrary>], iteration_bounds = array<i64: 5>, scalar_prefetch = 0 : i64, scratch_operands = 0 : i64, tpu.core_type = #tpu.core_type<tc>, window_params = [{transform_indices = @transform_0, window_bounds = array<i64: 2000, 128>}, {pipeline_mode = #tpu.pipeline_mode<synchronous>, transform_indices = @transform_1, window_bounds = array<i64: 128, 128>}, {transform_indices = @transform_2, window_bounds = array<i64: 2000, 128>}]} {
    %get3A = arith.constant 0 : index
    %get3A_0 = arith.constant 0 : index
    %get3A_1 = vector.load %arg1[%get3A, %get3A_0] : memref<2000x128xf32, #tpu.memory_space<vmem>>, vector<2000x128xf32>
    %get3A_2 = arith.constant 0 : index
    %get3A_3 = arith.constant 0 : index
    %get3A_4 = vector.load %arg2[%get3A_2, %get3A_3] : memref<128x128xf32, #tpu.memory_space<vmem>>, vector<128x128xf32>
    %dot_general3A = arith.constant dense<0.000000e+00> : vector<2000x128xf32>
    %dot_general3A_5 = tpu.matmul %get3A_1, %get3A_4, %dot_general3A {dimension_numbers = #tpu.dot_dimension_numbers<[1], [0], [0], [1], [0, 0, 1, 1], [], []>, transpose_lhs_hint = false} : vector<2000x128xf32>, vector<128x128xf32>, vector<2000x128xf32> -> vector<2000x128xf32>
    %swap3A = arith.constant 0 : index
    %swap3A_6 = arith.constant 0 : index
    %swap3A_7 = vector.load %arg3[%swap3A, %swap3A_6] : memref<2000x128xf32, #tpu.memory_space<vmem>>, vector<2000x128xf32>
    tpu.vector_store %arg3[%swap3A, %swap3A_6], %dot_general3A_5 {strides = array<i32>} : memref<2000x128xf32, #tpu.memory_space<vmem>>, vector<2000x128xf32>,
    return
  }
  func.func @transform_0(%arg0: i32) -> (i32, i32) {
    %c0_i32 = arith.constant 0 : i32
    %c0_i32_0 = arith.constant 0 : i32
    return %arg0, %c0_i32 : i32, i32
  }
  func.func @transform_1(%arg0: i32) -> (i32, i32) {
    %c0_i32 = arith.constant 0 : i32
    %c0_i32_0 = arith.constant 0 : i32
    %c0_i32_1 = arith.constant 0 : i32
    return %c0_i32, %c0_i32_0 : i32, i32
  }
  func.func @transform_2(%arg0: i32) -> (i32, i32) {
    %c0_i32 = arith.constant 0 : i32
    %c0_i32_0 = arith.constant 0 : i32
    return %arg0, %c0_i32 : i32, i32
  }
}

module attributes {stable_mosaic.version = 14 : i64} {
  func.func @_scale_body(%arg0: i32, %arg1: memref<2000x128xf32, #tpu.memory_space<vmem>>, %arg2: memref<2x2000x16xf32, #tpu.memory_space<vmem>>, %arg3: memref<2x2000x64xf32, #tpu.memory_space<vmem>>) attributes {dimension_semantics = [#tpu.dimension_semantics<arbitrary>], iteration_bounds = array<i64: 5>, scalar_prefetch = 0 : i64, scratch_operands = 0 : i64, tpu.core_type = #tpu.core_type<tc>, window_params = [{transform_indices = @transform_0, window_bounds = array<i64: 2000, 128>}, {transform_indices = @transform_1, window_bounds = array<i64: 2, 2000, 16>}, {transform_indices = @transform_2, window_bounds = array<i64: 2, 2000, 64>}]} {
    %get3A = arith.constant 0 : index
    %get3A_0 = arith.constant 0 : index
    %get3A_1 = arith.constant 0 : index
    %get3A_2 = vector.load %arg2[%get3A, %get3A_0, %get3A_1] : memref<2x2000x16xf32, #tpu.memory_space<vmem>>, vector<1x2000x1xf32>
    %get3A_3 = vector.shape_cast %get3A_2 : vector<1x2000x1xf32> to vector<2000x1xf32>
    %get3A_4 = arith.constant 1 : index
    %get3A_5 = arith.constant 0 : index
    %get3A_6 = arith.constant 0 : index
    %get3A_7 = vector.load %arg2[%get3A_4, %get3A_5, %get3A_6] : memref<2x2000x16xf32, #tpu.memory_space<vmem>>, vector<1x2000x1xf32>
    %get3A_8 = vector.shape_cast %get3A_7 : vector<1x2000x1xf32> to vector<2000x1xf32>
    %add3A = arith.addf %get3A_3, %get3A_8 : vector<2000x1xf32>
    %max3A = arith.constant 1.000000e+00 : f32
    %max3A_9 = vector.broadcast %max3A : f32 to vector<2000x1xf32>
    %max3A_10 = arith.maximumf %add3A, %max3A_9 : vector<2000x1xf32>
    %rsqrt3A = math.rsqrt %max3A_10 : vector<2000x1xf32>
    %get3A_11 = arith.constant 0 : index
    %get3A_12 = arith.constant 0 : index
    %get3A_13 = vector.load %arg1[%get3A_11, %get3A_12] : memref<2000x128xf32, #tpu.memory_space<vmem>>, vector<2000x128xf32>
    %mul3A = vector.broadcast %rsqrt3A : vector<2000x1xf32> to vector<2000x128xf32>
    %mul3A_14 = arith.mulf %get3A_13, %mul3A : vector<2000x128xf32>
    %slice3A = vector.extract_strided_slice %mul3A_14 {offsets = [0, 0], sizes = [2000, 64], strides = [1, 1]} : vector<2000x128xf32> to vector<2000x64xf32>
    %swap3A = arith.constant 0 : index
    %swap3A_15 = arith.constant 0 : index
    %swap3A_16 = arith.constant 0 : index
    %swap3A_17 = vector.load %arg3[%swap3A, %swap3A_15, %swap3A_16] : memref<2x2000x64xf32, #tpu.memory_space<vmem>>, vector<1x2000x64xf32>
    %swap3A_18 = vector.shape_cast %swap3A_17 : vector<1x2000x64xf32> to vector<2000x64xf32>
    %swap3A_19 = vector.shape_cast %slice3A : vector<2000x64xf32> to vector<1x2000x64xf32>
    tpu.vector_store %arg3[%swap3A, %swap3A_15, %swap3A_16], %swap3A_19 {strides = array<i32>} : memref<2x2000x64xf32, #tpu.memory_space<vmem>>, vector<1x2000x64xf32>,
    %slice3A_20 = vector.extract_strided_slice %mul3A_14 {offsets = [0, 64], sizes = [2000, 64], strides = [1, 1]} : vector<2000x128xf32> to vector<2000x64xf32>
    %swap3A_21 = arith.constant 1 : index
    %swap3A_22 = arith.constant 0 : index
    %swap3A_23 = arith.constant 0 : index
    %swap3A_24 = vector.load %arg3[%swap3A_21, %swap3A_22, %swap3A_23] : memref<2x2000x64xf32, #tpu.memory_space<vmem>>, vector<1x2000x64xf32>
    %swap3A_25 = vector.shape_cast %swap3A_24 : vector<1x2000x64xf32> to vector<2000x64xf32>
    %swap3A_26 = vector.shape_cast %slice3A_20 : vector<2000x64xf32> to vector<1x2000x64xf32>
    tpu.vector_store %arg3[%swap3A_21, %swap3A_22, %swap3A_23], %swap3A_26 {strides = array<i32>} : memref<2x2000x64xf32, #tpu.memory_space<vmem>>, vector<1x2000x64xf32>,
    return
  }
  func.func @transform_0(%arg0: i32) -> (i32, i32) {
    %c0_i32 = arith.constant 0 : i32
    %c0_i32_0 = arith.constant 0 : i32
    return %arg0, %c0_i32 : i32, i32
  }
  func.func @transform_1(%arg0: i32) -> (i32, i32, i32) {
    %c0_i32 = arith.constant 0 : i32
    %c0_i32_0 = arith.constant 0 : i32
    %c0_i32_1 = arith.constant 0 : i32
    return %c0_i32, %arg0, %c0_i32_0 : i32, i32, i32
  }
  func.func @transform_2(%arg0: i32) -> (i32, i32, i32) {
    %c0_i32 = arith.constant 0 : i32
    %c0_i32_0 = arith.constant 0 : i32
    %c0_i32_1 = arith.constant 0 : i32
    return %c0_i32, %arg0, %c0_i32_0 : i32, i32, i32
  }
}

module attributes {stable_mosaic.version = 14 : i64} {
  func.func @_finalize_body(%arg0: i32, %arg1: memref<2x2000x64xf32, #tpu.memory_space<vmem>>, %arg2: memref<2x2000x16xf32, #tpu.memory_space<vmem>>, %arg3: memref<2000x128xf32, #tpu.memory_space<vmem>>) attributes {dimension_semantics = [#tpu.dimension_semantics<arbitrary>], iteration_bounds = array<i64: 5>, scalar_prefetch = 0 : i64, scratch_operands = 0 : i64, tpu.core_type = #tpu.core_type<tc>, window_params = [{transform_indices = @transform_0, window_bounds = array<i64: 2, 2000, 64>}, {transform_indices = @transform_1, window_bounds = array<i64: 2, 2000, 16>}, {transform_indices = @transform_2, window_bounds = array<i64: 2000, 128>}]} {
    %get3A = arith.constant 0 : index
    %get3A_0 = arith.constant 0 : index
    %get3A_1 = arith.constant 0 : index
    %get3A_2 = vector.load %arg2[%get3A, %get3A_0, %get3A_1] : memref<2x2000x16xf32, #tpu.memory_space<vmem>>, vector<1x2000x1xf32>
    %get3A_3 = vector.shape_cast %get3A_2 : vector<1x2000x1xf32> to vector<2000x1xf32>
    %get3A_4 = arith.constant 1 : index
    %get3A_5 = arith.constant 0 : index
    %get3A_6 = arith.constant 0 : index
    %get3A_7 = vector.load %arg2[%get3A_4, %get3A_5, %get3A_6] : memref<2x2000x16xf32, #tpu.memory_space<vmem>>, vector<1x2000x1xf32>
    %get3A_8 = vector.shape_cast %get3A_7 : vector<1x2000x1xf32> to vector<2000x1xf32>
    %add3A = arith.addf %get3A_3, %get3A_8 : vector<2000x1xf32>
    %max3A = arith.constant 1.000000e+00 : f32
    %max3A_9 = vector.broadcast %max3A : f32 to vector<2000x1xf32>
    %max3A_10 = arith.maximumf %add3A, %max3A_9 : vector<2000x1xf32>
    %rsqrt3A = math.rsqrt %max3A_10 : vector<2000x1xf32>
    %get3A_11 = arith.constant 0 : index
    %get3A_12 = arith.constant 0 : index
    %get3A_13 = arith.constant 0 : index
    %get3A_14 = vector.load %arg1[%get3A_11, %get3A_12, %get3A_13] : memref<2x2000x64xf32, #tpu.memory_space<vmem>>, vector<1x2000x64xf32>
    %get3A_15 = vector.shape_cast %get3A_14 : vector<1x2000x64xf32> to vector<2000x64xf32>
    %mul3A = vector.broadcast %rsqrt3A : vector<2000x1xf32> to vector<2000x64xf32>
    %mul3A_16 = arith.mulf %get3A_15, %mul3A : vector<2000x64xf32>
    %get3A_17 = arith.constant 1 : index
    %get3A_18 = arith.constant 0 : index
    %get3A_19 = arith.constant 0 : index
    %get3A_20 = vector.load %arg1[%get3A_17, %get3A_18, %get3A_19] : memref<2x2000x64xf32, #tpu.memory_space<vmem>>, vector<1x2000x64xf32>
    %get3A_21 = vector.shape_cast %get3A_20 : vector<1x2000x64xf32> to vector<2000x64xf32>
    %mul3A_22 = vector.broadcast %rsqrt3A : vector<2000x1xf32> to vector<2000x64xf32>
    %mul3A_23 = arith.mulf %get3A_21, %mul3A_22 : vector<2000x64xf32>
    %concatenate3A = tpu.concatenate %mul3A_16, %mul3A_23 in 1 : vector<2000x64xf32>, vector<2000x64xf32> -> vector<2000x128xf32>
    %swap3A = arith.constant 0 : index
    %swap3A_24 = arith.constant 0 : index
    %swap3A_25 = vector.load %arg3[%swap3A, %swap3A_24] : memref<2000x128xf32, #tpu.memory_space<vmem>>, vector<2000x128xf32>
    tpu.vector_store %arg3[%swap3A, %swap3A_24], %concatenate3A {strides = array<i32>} : memref<2000x128xf32, #tpu.memory_space<vmem>>, vector<2000x128xf32>,
    return
  }
  func.func @transform_0(%arg0: i32) -> (i32, i32, i32) {
    %c0_i32 = arith.constant 0 : i32
    %c0_i32_0 = arith.constant 0 : i32
    %c0_i32_1 = arith.constant 0 : i32
    return %c0_i32, %arg0, %c0_i32_0 : i32, i32, i32
  }
  func.func @transform_1(%arg0: i32) -> (i32, i32, i32) {
    %c0_i32 = arith.constant 0 : i32
    %c0_i32_0 = arith.constant 0 : i32
    %c0_i32_1 = arith.constant 0 : i32
    return %c0_i32, %arg0, %c0_i32_0 : i32, i32, i32
  }
  func.func @transform_2(%arg0: i32) -> (i32, i32) {
    %c0_i32 = arith.constant 0 : i32
    %c0_i32_0 = arith.constant 0 : i32
    return %arg0, %c0_i32 : i32, i32
  }
}

</mosaic_0001>

<sc_bundles>
// kernel: kernel.10.cloned.1.call-start
scs
__scs_entry_jumppad:
0x0: {  	(pc) =	sbr.rel $0x88, $3  }
0x1: {  	(tag) =	ssettag $0x0;
	lr =	simm.s32 $0x1  }
0x2: {  	[smem:$0x3F9E] =	sst lr;
	_ =	strace $0xD0000000  }
0x3: {  	_ = 	snop  }
0x4: {  	_ = 	snop  }
0x5: {  	_ = 	snop  }
0x6: {  	_ = 	snop  }
0x7: {  	_ = 	snop  }
__scs_overlays_trampoline_lowered:
0x8: {  	[smem:$0x3FAD] =	sst s0  }
0x9: {  	[smem:$0x3FAE] =	sst s1  }
0xa: {  	[smem:$0x3FAF] =	sst s2  }
0xb: {  	[smem:$0x3FB0] =	sst s3  }
0xc: {  	[smem:$0x3FB1] =	sst s4  }
0xd: {  	[smem:$0x3FB2] =	sst s5  }
0xe: {  	[smem:$0x3FB3] =	sst s6  }
0xf: {  	[smem:$0x3FB4] =	sst s7  }
0x10: {  	[smem:$0x3FB5] =	sst s8  }
0x11: {  	[smem:$0x3FB6] =	sst s9;
	s0 =	simm.s32 @!p0 $0x0  }
0x12: {  	s1 =	sld [smem:$0x3F9C];
	s0 =	simm.s32 @p0 $0x1  }
0x13: {  	[smem:$0x3FB7] =	sst s0;
	s0 =	simm.s32 @!p1 $0x0  }
0x14: {  	s2 =	sld [smem:$0x3F9B];
	s0 =	simm.s32 @p1 $0x1  }
0x15: {  	[smem:$0x3FB8] =	sst s0;
	s0 =	simm.s32 @!p2 $0x0  }
0x16: {  	s3 =	sld [smem:$0x3FDB];
	s0 =	simm.s32 @p2 $0x1  }
0x17: {  	s4 =	simm.s32 $0x1BF5;
	[smem:$0x3FBA] =	sst s0  }
0x18: {  	s0 =	sld [smem:$0x3F9D];
	_ =	swait.ge [sflag:s4], $0x0  }
0x19: {  	s7 =	sld [smem:$0x3F9E]  }
0x1a: {  	s8 =	sadd.s32 $0xFFFFE003, lr  }
0x1b: {  	s9 =	sadd.s32 $0xFFFFFEF7, lr;
	s5 =	simm.s32 $0xFFFFFFFF;
	p2 =	slt.u32 s8, $0xFFFFF086  }
0x1c: {  	p1 =	slt.u32 s9, $0xF7A;
	s5 =	simm.s32 @!p2 $0x0  }
0x1d: {  	s5 =	simm.s32 @p1 $0x1;
	p0 =	seq.s32 s7, s2  }
0x1e: {  	s7 =	smul.u32 @!p0 $0xF7A, s2;
	p2 =	seq.s32 @!p0 s5, $0x0  }
0x1f: {  	s9 =	smul.u32 $0xF7A, s1;
	s8 =	simm.s32 @!p0 $0x1BF5;
	p2 =	por !p2, p0  }
0x20: {  	[sflag:s8] =	ssyncset.s32 @!p0 $0xFFFFF086;
	s6 =	sadd.s32 @!p0 s3, s7;
	s7 =	simm.s32 @!p0 $0x108  }
0x21: {  	s3 =	sadd.s32 s3, s9;
	s6 =	sadd.s32 @!p0 $0x88, s6;
	s7 =	simm.s32 @p2 $0x1082  }
0x22: {  	[simem:s7], [sflag:s8] =	dma.local @!p0 [hbm:s6], $0xF7A  }
0x23: {  	s9 =	sor.u32 $0xD0000000, s2;
	s6 =	simm.s32 $0x108;
	_ =	swait.ge @!p0 [sflag:s8], $0x0  }
0x24: {  	s3 =	sadd.s32 $0x88, s3;
	s6 =	simm.s32 @!p1 $0x1082;
	[sflag:s4] =	ssyncset.s32 $0xFFFFF086  }
0x25: {  	[simem:s6], [sflag:s4] =	dma.local [hbm:s3], $0xF7A  }
0x26: {  	[smem:$0x3F9E] =	sst s1;
	(tag) =	ssettag s2;
	_ =	strace s9  }
0x27: {  	s1 =	sld [smem:$0x3FAE]  }
0x28: {  	s2 =	sld [smem:$0x3FAF]  }
0x29: {  	s4 =	sld [smem:$0x3FB1]  }
0x2a: {  	p0 =	seq.s32 s5, $0x0;
	s5 =	sld [smem:$0x3FB2]  }
0x2b: {  	s6 =	sld [smem:$0x3FB3]  }
0x2c: {  	s7 =	sld [smem:$0x3FB4]  }
0x2d: {  	s3 =	simm.s32 $0x108;
	s8 =	sld [smem:$0x3FB5]  }
0x2e: {  	s3 =	simm.s32 @!p0 $0x1082;
	s9 =	sld [smem:$0x3FB6]  }
0x2f: {  	lr =	sadd.s32 s0, s3;
	s0 =	sld [smem:$0x3FAD]  }
0x30: {  	s3 =	sld [smem:$0x3FB0]  }
0x31: {  	[smem:$0x3FB9] =	sst s10  }
0x32: {  	s10 =	sld [smem:$0x3FB7];
	_ =	sdelay $0x3  }
0x33: {  	p0 =	seq.s32 s10, $0x1;
	s10 =	sld [smem:$0x3FB9];
	_ =	sdelay $0x3  }
0x34: {  	[smem:$0x3FB9] =	sst s10  }
0x35: {  	s10 =	sld [smem:$0x3FB8];
	_ =	sdelay $0x3  }
0x36: {  	p1 =	seq.s32 s10, $0x1;
	s10 =	sld [smem:$0x3FB9];
	_ =	sdelay $0x3  }
0x37: {  	[smem:$0x3FB9] =	sst s10  }
0x38: {  	s10 =	sld [smem:$0x3FBA]  }
0x39: {  	_ = 	snop;
	(pc) =	sbr.ind lr, $3  }
0x3a: {  	_ = 	snop  }
0x3b: {  	_ = 	snop  }
0x3c: {  	p2 =	seq.s32 s10, $0x1;
	s10 =	sld [smem:$0x3FB9]  }
0x3d: {  	_ =	shalt  }
0x3e: {  	_ =	shalt  }
0x3f: {  	_ =	shalt  }
0x40: {  	_ =	shalt  }
0x41: {  	_ =	shalt  }
0x42: {  	_ =	shalt  }
0x43: {  	_ =	shalt  }
0x44: {  	_ =	shalt  }
0x45: {  	_ =	shalt  }
0x46: {  	_ =	shalt  }
0x47: {  	_ =	shalt  }
0x48: {  	_ =	shalt  }
0x49: {  	_ =	shalt  }
0x4a: {  	_ =	shalt  }
0x4b: {  	_ =	shalt  }
0x4c: {  	_ =	shalt  }
0x4d: {  	_ =	shalt  }
0x4e: {  	_ =	shalt  }
0x4f: {  	_ =	shalt  }
0x50: {  	_ =	shalt  }
0x51: {  	_ =	shalt  }
0x52: {  	_ =	shalt  }
0x53: {  	_ =	shalt  }
0x54: {  	_ =	shalt  }
0x55: {  	_ =	shalt  }
0x56: {  	_ =	shalt  }
0x57: {  	_ =	shalt  }
0x58: {  	_ =	shalt  }
0x59: {  	_ =	shalt  }
0x5a: {  	_ =	shalt  }
0x5b: {  	_ =	shalt  }
0x5c: {  	_ =	shalt  }
0x5d: {  	_ =	shalt  }
0x5e: {  	_ =	shalt  }
0x5f: {  	_ =	shalt  }
0x60: {  	_ =	shalt  }
0x61: {  	_ =	shalt  }
0x62: {  	_ =	shalt  }
0x63: {  	_ =	shalt  }
0x64: {  	_ =	shalt  }
0x65: {  	_ =	shalt  }
0x66: {  	_ =	shalt  }
0x67: {  	_ =	shalt  }
0x68: {  	_ =	shalt  }
0x69: {  	_ =	shalt  }
0x6a: {  	_ =	shalt  }
0x6b: {  	_ =	shalt  }
0x6c: {  	_ =	shalt  }
0x6d: {  	_ =	shalt  }
0x6e: {  	_ =	shalt  }
0x6f: {  	_ =	shalt  }
0x70: {  	_ =	shalt  }
0x71: {  	_ =	shalt  }
0x72: {  	_ =	shalt  }
0x73: {  	_ =	shalt  }
0x74: {  	_ =	shalt  }
0x75: {  	_ =	shalt  }
0x76: {  	_ =	shalt  }
0x77: {  	_ =	shalt  }
0x78: {  	_ =	shalt  }
0x79: {  	_ =	shalt  }
0x7a: {  	_ =	shalt  }
0x7b: {  	_ =	shalt  }
0x7c: {  	_ =	shalt  }
0x7d: {  	_ =	shalt  }
0x7e: {  	_ =	shalt  }
0x7f: {  	_ =	shalt  }
0x80: {  	_ =	shalt  }
0x81: {  	_ =	shalt  }
0x82: {  	_ =	shalt  }
0x83: {  	_ =	shalt  }
0x84: {  	_ =	shalt  }
0x85: {  	_ =	shalt  }
0x86: {  	_ =	shalt  }
0x87: {  	_ =	shalt  }
.Lfunc_end0:
.L_simem_size_0:
called_computation.1_lowered:
.L_overlay_start_0:
0x88: {  	s2 =	sld [smem:$0x3FD9]  }
0x89: {  	s3 =	sld [smem:$0x3FFE];
	_ =	sdelay $0x1  }
0x8a: {  	s1 =	srdreg.scid  }
0x8b: {  	s0 =	sand.u32 $0x1, s1  }
0x8c: {  	s17 =	sshll.u32 s0, $0xA;
	s2 =	sadd.s32 s3, s2  }
0x8d: {  	s2 =	sadd.s32 s2, s17  }
0x8e: {  	[smem:$0x3FC5] =	sst s2  }
0x8f: {  	_ = 	snop  }
0x90: {  	s2 =	sld [smem:$0x3FD0];
	(tm) =	ssettm $0x1  }
0x91: {  	s18 =	sld [smem:$0x3FFB];
	_ =	sdelay $0x3  }
0x92: {  	_ =	strace s18  }
0x93: {  	s3 =	sld [smem:$0x3FFC];
	_ =	sdelay $0x3  }
0x94: {  	_ =	strace s3  }
0x95: {  	s3 =	sld [smem:$0x3FFD];
	_ =	sdelay $0x3  }
0x96: {  	_ =	strace s3  }
0x97: {  	_ =	strace $0x8FFFFFFF  }
0x98: {  	s19 =	sld [smem:$0x3FDB];
	_ =	sdelay $0x1  }
0x99: {  	s4 =	simm.s32 $_scs_section_size  }
0x9a: {  	s5 =	simm.s32 $_size__tile_overlayer_lowered;
	s6 =	simm.s32 $_tile_overlayer_lowered  }
0x9b: {  	s22 =	simm.s32 $0x1BFF;
	s21 =	sshll.u32 s6, $0x1;
	s3 =	sadd.s32 s4, s19  }
0x9c: {  	s7 =	simm.s32 $0x0;
	s20 =	sshll.u32 s5, $0x1;
	s5 =	sadd.s32 s21, s3  }
0x9d: {  	[timem:s7], [sflag:s22] =	dma.local [hbm:s5], s20  }
0x9e: {  	_ =	swait.ge [sflag:s22], s20  }
0x9f: {  	s4 =	ssub.s32 $0x0, s20;
	[sflag:s22] =	ssyncset.done $0x0  }
0xa0: {  	[sflag:s22] =	ssyncadd.s32 s4;
	_ =	sdelay $0x1  }
0xa1: {  	s23 =	simm.s32 $0x1B8B  }
0xa2: {  	_ =	swait.ge [sflag:s23], $0x1  }
0xa3: {  	[sflag:s23] =	ssyncset.done $0x0  }
0xa4: {  	s25 =	simm.s32 $0x1B8E;
	s24 =	sld [smem:$0x3FFE];
	[sflag:s23] =	ssyncadd.s32 $0xFFFFFFFF  }
0xa5: {  	s26 =	simm.s32 $execute0_lowered;
	[smem:$0x3FD2] =	sst s25  }
0xa6: {  	s5 =	sshll.u32 s26, $0x1;
	_ =	strace $0x80000049;
	[dreg:$0x1] =	wrdreg $0xFFFFFFFF  }
0xa7: {  	s28 =	simm.s32 $_size_execute0_lowered;
	s3 =	sadd.s32 s3, s5;
	[dreg:$0x0] =	wrdreg $0x0  }
0xa8: {  	s5 =	sshll.u32 s28, $0x1;
	[dreg:$0x2] =	wrdreg s3  }
0xa9: {  	[dreg:$0x3] =	wrdreg s5  }
0xaa: {  	[dreg:$0x4] =	wrdreg $0xC0  }
0xab: {  	_ =	task [dreg:s7], $0x5FFFF  }
0xac: {  	[dreg:$0x1] =	wrdreg $0xFFFFFFFF  }
0xad: {  	[dreg:$0x0] =	wrdreg $0x60  }
0xae: {  	[dreg:$0x2] =	wrdreg s2  }
0xaf: {  	[dreg:$0x3] =	wrdreg s24  }
0xb0: {  	[dreg:$0x4] =	wrdreg $0x0  }
0xb1: {  	[dreg:$0x5] =	wrdreg $0x9  }
0xb2: {  	_ =	task.clear_ibuf [dreg:s7], $0x6FFFF;
	_ =	strace $0x90000049  }
0xb3: {  	s29 =	simm.s32 $0x9;
	_ =	strace $0x8000004B  }
0xb4: {  	_ =	swait.ge [sflag:s29], $0x1  }
0xb5: {  	[sflag:s29] =	ssyncadd.s32 $0xFFFFFFFF  }
0xb6: {  	_ =	strace $0x9000004B  }
0xb7: {  	_ =	sfence  }
0xb8: {  	s30 =	sld [smem:$0x0];
	_ =	sdelay $0x2  }
0xb9: {  	s31 =	sshll.u32 s1, $0xD;
	s1 =	sshrl.u32 s1, $0x2  }
0xba: {  	s3 =	sand.u32 $0x4000, s31;
	s1 =	sadd.s32 s1, s30  }
0xbb: {  	s0 =	sor.u32 s3, s0;
	s1 =	sshll.u32 s1, $0x11  }
0xbc: {  	s0 =	sor.u32 s1, s0  }
0xbd: {  	s0 =	sadd.s32 $0x8F2B, s0  }
0xbe: {  	[sflag:s0] =	ssyncadd.remote.s32 $0x1  }
0xbf: {  	_ =	sfence.sel $0xFFFF  }
0xc0: {  	[dreg:$0x0] =	wrdreg $0xFFFFFFFF;
	(pc) =	sbr.abs _section_cstart, $3  }
0xc1: {  	[dreg:$0x1] =	wrdreg $0xFFFFFFFF  }
0xc2: {  	_ =	task.clear_ibuf [dreg:s7], $0x2FFFF;
	_ =	strace $0x9FFFFFFF  }
0xc3: {  	(tm) =	ssettm $0x7FFFFFFF  }
tec
execute0_lowered:
.L_overlay_start_1:
0x0: {  	(tag) =	ssettag $0x1  }
0x1: {  	s0 =	srdreg.scid;
	s2 =	rddreg [dreg:$0x0]  }
0x2: {  	s9 =	stileid.u32;
	s5 =	rddreg [dreg:$0x1]  }
0x3: {  	s3 =	rddreg [dreg:$0x2];
	s4 =	simm.s32 $0x0;
	s15 =	simm.s32 $0x13B80  }
0x4: {  	s16 =	simm.s32 $0xD;
	s18 =	simm.s32 $0xECC0;
	s19 =	simm.s32 $0x70  }
0x5: {  	s28 =	simm.s32 $0x3;
	s31 =	simm.s32 $0x18F80;
	s20 =	simm.s32 $0x1AB80  }
0x6: {  	s29 =	simm.s32 $0x4;
	s30 =	simm.s32 $0x8;
	s6 =	smul.u32 $0x9D8, s9  }
0x7: {  	s0 =	sand.u32 $0x1, s0;
	s7 =	smul.u32 $0x13C0, s9;
	[smem:$0x7FF] =	sst s4  }
0x8: {  	s1 =	sshll.u32 s0, $0x4;
	s8 =	smul.u32 $0x13C00, s0;
	_ =	strace $0x8000004A  }
0x9: {  	s0 =	ssub.s32 $0x2, s0;
	s1 =	sor.u32 s9, s1;
	s9 =	smul.u32 $0x27800, s9  }
0xa: {  	s6 =	sadd.s32 s6, s5;
	s22 =	sshrl.u32 s0, $0x1;
	s1 =	smul.u32 $0x9D8, s1  }
0xb: {  	s7 =	sadd.s32 s7, s8;
	s0 =	ssub.s32 s0, s22;
	s21 =	sshrl.u32 s9, $0x2  }
0xc: {  	s7 =	sadd.s32 s7, s5;
	s1 =	sadd.s32 s1, s5;
	s5 =	sadd.s32 s21, s3  }
0xd: {  	s12 =	sadd.s32 $0xB800, s6;
	s22 =	simm.s32 $0x6;
	s8 =	sadd.s32 $0x1C00, s5  }
0xe: {  	s6 =	simm.s32 $0x9;
	s23 =	sadd.s32 $0x3800, s5;
	[dreg:$0x4] =	wrdreg s8  }
0xf: {  	s14 =	smax.u32 s0, $0x1;
	s24 =	sadd.s32 $0x5400, s5;
	[dreg:$0x5] =	wrdreg s23  }
0x10: {  	s0 =	simm.s32 $0x5;
	s25 =	sadd.s32 $0x7000, s5;
	[dreg:$0x6] =	wrdreg s24  }
0x11: {  	s9 =	simm.s32 $0xC;
	s26 =	sadd.s32 $0x8C00, s5;
	[dreg:$0x7] =	wrdreg s25  }
0x12: {  	s13 =	sadd.s32 $0x78200, s7;
	s1 =	sadd.s32 $0x15600, s1;
	[dreg:$0x8] =	wrdreg s26  }
0x13: {  	s21 =	simm.s32 $0x15780;
	s7 =	simm.s32 $0xA;
	[dreg:$0x9] =	wrdreg s1  }
0x14: {  	s23 =	simm.s32 $0x17380;
	s24 =	simm.s32 $0x1;
	s25 =	simm.s32 $0x2  }
0x15: {  	v0 =	vimm.f32 $0.0e+00;
	s26 =	simm.s32 $0x1C780;
	s1 =	simm.s32 $0x7;
	s8 =	simm.s32 $0xB  }
.LBB2_1:
0x16: {  	s11 =	simm.s32 $0x100;
	s10 =	simm.s32 $0x0  }
.LBB2_2:
0x17: {  	p0 =	sne.s32 s11, $0x6F00;
	[tilespmem:s10+$0x13BB0] =	vst v0;
	s17 =	smov.u32 s11;
	s11 =	sadd.s32 $0x100, s11  }
.Ltmp0:
0x18: {  	[tilespmem:s10+$0x13BA0] =	vst v0;
	(pc) =	sbr.rel @p0 .LBB2_2-.Ltmp0, $3  }
0x19: {  	[tilespmem:s10+$0x13B80] =	vst v0  }
0x1a: {  	[tilespmem:s10+$0x13B90] =	vst v0;
	_ =	sdelay $0x1  }
0x1b: {  	s10 =	sshra.s32 s17, $0x2  }
0x1c: {  	[tilespmem:s10+$0x13BB0] =	vst v0  }
0x1d: {  	[tilespmem:s10+$0x13BA0] =	vst v0  }
0x1e: {  	[tilespmem:s10+$0x13B80] =	vst v0  }
0x1f: {  	[tilespmem:s10+$0x13B90] =	vst v0  }
0x20: {  	[spmem:s5] =	stream.linear.scatter [tilespmem:s15], [sflag:$0xD], $0x1C00, $0x38;
	[tilespmem:$0x1E380] =	vst v63  }
0x21: {  	_ =	swait.ge [sflag:s16], $0x1C00  }
0x22: {  	[sflag:s16] =	ssyncset.done $0x0  }
0x23: {  	s11 =	rddreg [dreg:$0x4];
	[sflag:s16] =	ssyncadd.s32 $0xFFFFE400  }
0x24: {  	[spmem:s11] =	stream.linear.scatter [tilespmem:s15], [sflag:$0xD], $0x1C00, $0x38;
	[tilespmem:$0x1E380] =	vst v63  }
0x25: {  	_ =	swait.ge [sflag:s16], $0x1C00  }
0x26: {  	[sflag:s16] =	ssyncset.done $0x0  }
0x27: {  	s17 =	rddreg [dreg:$0x5];
	[sflag:s16] =	ssyncadd.s32 $0xFFFFE400  }
0x28: {  	[spmem:s17] =	stream.linear.scatter [tilespmem:s15], [sflag:$0xD], $0x1C00, $0x38;
	[tilespmem:$0x1E380] =	vst v63  }
0x29: {  	_ =	swait.ge [sflag:s16], $0x1C00  }
0x2a: {  	[sflag:s16] =	ssyncset.done $0x0  }
0x2b: {  	s11 =	rddreg [dreg:$0x6];
	[sflag:s16] =	ssyncadd.s32 $0xFFFFE400  }
0x2c: {  	[spmem:s11] =	stream.linear.scatter [tilespmem:s15], [sflag:$0xD], $0x1C00, $0x38;
	[tilespmem:$0x1E380] =	vst v63  }
0x2d: {  	_ =	swait.ge [sflag:s16], $0x1C00  }
0x2e: {  	[sflag:s16] =	ssyncset.done $0x0  }
0x2f: {  	s17 =	rddreg [dreg:$0x7];
	[sflag:s16] =	ssyncadd.s32 $0xFFFFE400  }
0x30: {  	[spmem:s17] =	stream.linear.scatter [tilespmem:s15], [sflag:$0xD], $0x1C00, $0x38;
	[tilespmem:$0x1E380] =	vst v63  }
0x31: {  	_ =	swait.ge [sflag:s16], $0x1C00  }
0x32: {  	[sflag:s16] =	ssyncset.done $0x0  }
0x33: {  	s11 =	rddreg [dreg:$0x8];
	[sflag:s16] =	ssyncadd.s32 $0xFFFFE400  }
0x34: {  	[spmem:s11] =	stream.linear.scatter [tilespmem:s15], [sflag:$0xD], $0x1200, $0x38;
	[tilespmem:$0x1E380] =	vst v63  }
0x35: {  	_ =	swait.ge [sflag:s16], $0x1200  }
0x36: {  	s10 =	simm.s32 $0x0;
	[sflag:s16] =	ssyncset.done $0x0  }
0x37: {  	s17 =	simm.s32 $0x9E00;
	s11 =	rddreg [dreg:$0x9];
	[sflag:s16] =	ssyncadd.s32 $0xFFFFEE00  }
0x38: {  	[tilespmem:s17], [sflag:$0xD] =	stream.linear.gather [hbm4b:s11+s10], $0x4EC0, $0x38;
	[tilespmem:$0x1E380] =	vst v63  }
0x39: {  	_ =	swait.ge [sflag:s16], $0x4EC0  }
0x3a: {  	[sflag:s16] =	ssyncset.done $0x0  }
0x3b: {  	[sflag:s16] =	ssyncadd.s32 $0xFFFFB140  }
0x3c: {  	[tilespmem:s18], [sflag:$0xD] =	stream.linear.gather [hbm4b:s12+s10], $0x4EC0, $0x38;
	[tilespmem:$0x1E380] =	vst v63  }
0x3d: {  	_ =	swait.ge [sflag:s16], $0x4EC0  }
0x3e: {  	[sflag:s16] =	ssyncset.done $0x0  }
0x3f: {  	[sflag:s16] =	ssyncadd.s32 $0xFFFFB140  }
0x40: {  	[bflag:$0x0] =	sbarrier.arrive $0xFFFF  }
0x41: {  	[tilespmem:s15], [sflag:$0x1] =	stream.indirect.gather [hbm4b:s2+s19], $0x40, s17, s19, $0xb8;
	[tilespmem:$0x1E380] =	vst v63  }
0x42: {  	s17 =	simm.s32 $0x9E70  }
0x43: {  	[tilespmem:s21], [sflag:$0x2] =	stream.indirect.gather [hbm4b:s2+s19], $0x40, s17, s19, $0xb8;
	[tilespmem:$0x1E380] =	vst v63  }
0x44: {  	s11 =	simm.s32 $0x9EE0  }
0x45: {  	[tilespmem:s23], [sflag:$0x3] =	stream.indirect.gather [hbm4b:s2+s19], $0x40, s11, s19, $0xb8;
	[tilespmem:$0x1E380] =	vst v63  }
0x46: {  	_ =	swait.ge [sflag:s24], $0x1C00  }
0x47: {  	[sflag:s24] =	ssyncset.done $0x0  }
0x48: {  	[sflag:s24] =	ssyncadd.s32 $0xFFFFE400  }
0x49: {  	[spmem:s3] =	stream.indirect.scatter.add.f32 [tilespmem:s15], [sflag:$0x7], $0x40, s18, s19, $0xb8;
	[tilespmem:$0x1E380] =	vst v63  }
0x4a: {  	_ =	swait.ge [sflag:s25], $0x1C00  }
0x4b: {  	[sflag:s25] =	ssyncset.done $0x0  }
0x4c: {  	s17 =	simm.s32 $0xED30;
	[sflag:s25] =	ssyncadd.s32 $0xFFFFE400  }
0x4d: {  	[spmem:s3] =	stream.indirect.scatter.add.f32 [tilespmem:s21], [sflag:$0x8], $0x40, s17, s19, $0xb8;
	[tilespmem:$0x1E380] =	vst v63  }
0x4e: {  	_ =	swait.ge [sflag:s28], $0x1C00  }
0x4f: {  	[sflag:s28] =	ssyncset.done $0x0  }
0x50: {  	s11 =	simm.s32 $0xEDA0;
	[sflag:s28] =	ssyncadd.s32 $0xFFFFE400  }
0x51: {  	[spmem:s3] =	stream.indirect.scatter.add.f32 [tilespmem:s23], [sflag:$0x9], $0x40, s11, s19, $0xb8;
	[tilespmem:$0x1E380] =	vst v63  }
0x52: {  	s17 =	simm.s32 $0x9F50  }
0x53: {  	[tilespmem:s31], [sflag:$0x4] =	stream.indirect.gather [hbm4b:s2+s19], $0x40, s17, s19, $0xb8;
	[tilespmem:$0x1E380] =	vst v63  }
0x54: {  	s11 =	simm.s32 $0x9FC0  }
0x55: {  	[tilespmem:s20], [sflag:$0x5] =	stream.indirect.gather [hbm4b:s2+s19], $0x40, s11, s19, $0xb8;
	[tilespmem:$0x1E380] =	vst v63  }
0x56: {  	s17 =	simm.s32 $0xA030  }
0x57: {  	[tilespmem:s26], [sflag:$0x6] =	stream.indirect.gather [hbm4b:s2+s19], $0x40, s17, s19, $0xb8;
	[tilespmem:$0x1E380] =	vst v63  }
0x58: {  	_ =	swait.ge [sflag:s29], $0x1C00  }
0x59: {  	[sflag:s29] =	ssyncset.done $0x0  }
0x5a: {  	s11 =	simm.s32 $0xEE10;
	[sflag:s29] =	ssyncadd.s32 $0xFFFFE400  }
0x5b: {  	[spmem:s3] =	stream.indirect.scatter.add.f32 [tilespmem:s31], [sflag:$0xA], $0x40, s11, s19, $0xb8;
	[tilespmem:$0x1E380] =	vst v63  }
0x5c: {  	_ =	swait.ge [sflag:s0], $0x1C00  }
0x5d: {  	[sflag:s0] =	ssyncset.done $0x0  }
0x5e: {  	s17 =	simm.s32 $0xEE80;
	[sflag:s0] =	ssyncadd.s32 $0xFFFFE400  }
0x5f: {  	[spmem:s3] =	stream.indirect.scatter.add.f32 [tilespmem:s20], [sflag:$0xB], $0x40, s17, s19, $0xb8;
	[tilespmem:$0x1E380] =	vst v63  }
0x60: {  	_ =	swait.ge [sflag:s22], $0x1C00  }
0x61: {  	[sflag:s22] =	ssyncset.done $0x0  }
0x62: {  	s11 =	simm.s32 $0xEEF0;
	[sflag:s22] =	ssyncadd.s32 $0xFFFFE400  }
0x63: {  	[spmem:s3] =	stream.indirect.scatter.add.f32 [tilespmem:s26], [sflag:$0xC], $0x40, s11, s19, $0xb8;
	[tilespmem:$0x1E380] =	vst v63  }
0x64: {  	_ =	swait.ge [sflag:s1], $0x1C00  }
0x65: {  	[sflag:s1] =	ssyncset.done $0x0  }
0x66: {  	s17 =	simm.s32 $0xA0A0;
	[sflag:s1] =	ssyncadd.s32 $0xFFFFE400  }
0x67: {  	[tilespmem:s15], [sflag:$0x1] =	stream.indirect.gather [hbm4b:s2+s19], $0x40, s17, s19, $0xb8;
	[tilespmem:$0x1E380] =	vst v63  }
0x68: {  	_ =	swait.ge [sflag:s30], $0x1C00  }
0x69: {  	[sflag:s30] =	ssyncset.done $0x0  }
0x6a: {  	s11 =	simm.s32 $0xA110;
	[sflag:s30] =	ssyncadd.s32 $0xFFFFE400  }
0x6b: {  	[tilespmem:s21], [sflag:$0x2] =	stream.indirect.gather [hbm4b:s2+s19], $0x40, s11, s19, $0xb8;
	[tilespmem:$0x1E380] =	vst v63  }
0x6c: {  	_ =	swait.ge [sflag:s6], $0x1C00  }
0x6d: {  	[sflag:s6] =	ssyncset.done $0x0  }
0x6e: {  	s17 =	simm.s32 $0xA180;
	[sflag:s6] =	ssyncadd.s32 $0xFFFFE400  }
0x6f: {  	[tilespmem:s23], [sflag:$0x3] =	stream.indirect.gather [hbm4b:s2+s19], $0x40, s17, s19, $0xb8;
	[tilespmem:$0x1E380] =	vst v63  }
0x70: {  	_ =	swait.ge [sflag:s24], $0x1C00  }
0x71: {  	[sflag:s24] =	ssyncset.done $0x0  }
0x72: {  	s11 =	simm.s32 $0xEF60;
	[sflag:s24] =	ssyncadd.s32 $0xFFFFE400  }
0x73: {  	[spmem:s3] =	stream.indirect.scatter.add.f32 [tilespmem:s15], [sflag:$0x7], $0x40, s11, s19, $0xb8;
	[tilespmem:$0x1E380] =	vst v63  }
0x74: {  	_ =	swait.ge [sflag:s25], $0x1C00  }
0x75: {  	[sflag:s25] =	ssyncset.done $0x0  }
0x76: {  	s17 =	simm.s32 $0xEFD0;
	[sflag:s25] =	ssyncadd.s32 $0xFFFFE400  }
0x77: {  	[spmem:s3] =	stream.indirect.scatter.add.f32 [tilespmem:s21], [sflag:$0x8], $0x40, s17, s19, $0xb8;
	[tilespmem:$0x1E380] =	vst v63  }
0x78: {  	_ =	swait.ge [sflag:s28], $0x1C00  }
0x79: {  	[sflag:s28] =	ssyncset.done $0x0  }
0x7a: {  	s11 =	simm.s32 $0xF040;
	[sflag:s28] =	ssyncadd.s32 $0xFFFFE400  }
0x7b: {  	[spmem:s3] =	stream.indirect.scatter.add.f32 [tilespmem:s23], [sflag:$0x9], $0x40, s11, s19, $0xb8;
	[tilespmem:$0x1E380] =	vst v63  }
0x7c: {  	_ =	swait.ge [sflag:s7], $0x1C00  }
0x7d: {  	[sflag:s7] =	ssyncset.done $0x0  }
0x7e: {  	s17 =	simm.s32 $0xA1F0;
	[sflag:s7] =	ssyncadd.s32 $0xFFFFE400  }
0x7f: {  	[tilespmem:s31], [sflag:$0x4] =	stream.indirect.gather [hbm4b:s2+s19], $0x40, s17, s19, $0xb8;
	[tilespmem:$0x1E380] =	vst v63  }
0x80: {  	_ =	swait.ge [sflag:s8], $0x1C00  }
0x81: {  	[sflag:s8] =	ssyncset.done $0x0  }
0x82: {  	s11 =	simm.s32 $0xA260;
	[sflag:s8] =	ssyncadd.s32 $0xFFFFE400  }
0x83: {  	[tilespmem:s20], [sflag:$0x5] =	stream.indirect.gather [hbm4b:s2+s19], $0x40, s11, s19, $0xb8;
	[tilespmem:$0x1E380] =	vst v63  }
0x84: {  	_ =	swait.ge [sflag:s9], $0x1C00  }
0x85: {  	[sflag:s9] =	ssyncset.done $0x0  }
0x86: {  	s17 =	simm.s32 $0xA2D0;
	[sflag:s9] =	ssyncadd.s32 $0xFFFFE400  }
0x87: {  	[tilespmem:s26], [sflag:$0x6] =	stream.indirect.gather [hbm4b:s2+s19], $0x40, s17, s19, $0xb8;
	[tilespmem:$0x1E380] =	vst v63  }
0x88: {  	_ =	swait.ge [sflag:s29], $0x1C00  }
0x89: {  	[sflag:s29] =	ssyncset.done $0x0  }
0x8a: {  	s11 =	simm.s32 $0xF0B0;
	[sflag:s29] =	ssyncadd.s32 $0xFFFFE400  }
0x8b: {  	[spmem:s3] =	stream.indirect.scatter.add.f32 [tilespmem:s31], [sflag:$0xA], $0x40, s11, s19, $0xb8;
	[tilespmem:$0x1E380] =	vst v63  }
0x8c: {  	_ =	swait.ge [sflag:s0], $0x1C00  }
0x8d: {  	[sflag:s0] =	ssyncset.done $0x0  }
0x8e: {  	s17 =	simm.s32 $0xF120;
	[sflag:s0] =	ssyncadd.s32 $0xFFFFE400  }
0x8f: {  	[spmem:s3] =	stream.indirect.scatter.add.f32 [tilespmem:s20], [sflag:$0xB], $0x40, s17, s19, $0xb8;
	[tilespmem:$0x1E380] =	vst v63  }
0x90: {  	_ =	swait.ge [sflag:s22], $0x1C00  }
0x91: {  	[sflag:s22] =	ssyncset.done $0x0  }
0x92: {  	s10 =	simm.s32 $0xA80;
	s11 =	simm.s32 $0xF190;
	[sflag:s22] =	ssyncadd.s32 $0xFFFFE400  }
.LBB2_4:
0x93: {  	[spmem:s3] =	stream.indirect.scatter.add.f32 [tilespmem:s26], [sflag:$0xC], $0x40, s11, s19, $0xb8;
	[tilespmem:$0x1E380] =	vst v63  }
0x94: {  	s11 =	smov.u32 s10  }
0x95: {  	p0 =	sne.s32 s10, $0x12600;
	s10 =	sadd.s32 $0xA80, s10;
	_ =	swait.ge [sflag:s1], $0x1C00  }
0x96: {  	s11 =	sshra.s32 s11, $0x2;
	[sflag:s1] =	ssyncset.done $0x0  }
0x97: {  	s17 =	sadd.s32 $0xA0A0, s11;
	[sflag:s1] =	ssyncadd.s32 $0xFFFFE400  }
0x98: {  	[tilespmem:s15], [sflag:$0x1] =	stream.indirect.gather [hbm4b:s2+s19], $0x40, s17, s19, $0xb8;
	[tilespmem:$0x1E380] =	vst v63  }
0x99: {  	_ =	swait.ge [sflag:s30], $0x1C00  }
0x9a: {  	[sflag:s30] =	ssyncset.done $0x0  }
0x9b: {  	s17 =	sadd.s32 $0xA110, s11;
	[sflag:s30] =	ssyncadd.s32 $0xFFFFE400  }
0x9c: {  	[tilespmem:s21], [sflag:$0x2] =	stream.indirect.gather [hbm4b:s2+s19], $0x40, s17, s19, $0xb8;
	[tilespmem:$0x1E380] =	vst v63  }
0x9d: {  	_ =	swait.ge [sflag:s6], $0x1C00  }
0x9e: {  	[sflag:s6] =	ssyncset.done $0x0  }
0x9f: {  	s17 =	sadd.s32 $0xA180, s11;
	[sflag:s6] =	ssyncadd.s32 $0xFFFFE400  }
0xa0: {  	[tilespmem:s23], [sflag:$0x3] =	stream.indirect.gather [hbm4b:s2+s19], $0x40, s17, s19, $0xb8;
	[tilespmem:$0x1E380] =	vst v63  }
0xa1: {  	_ =	swait.ge [sflag:s24], $0x1C00  }
0xa2: {  	[sflag:s24] =	ssyncset.done $0x0  }
0xa3: {  	s17 =	sadd.s32 $0xEF60, s11;
	[sflag:s24] =	ssyncadd.s32 $0xFFFFE400  }
0xa4: {  	[spmem:s3] =	stream.indirect.scatter.add.f32 [tilespmem:s15], [sflag:$0x7], $0x40, s17, s19, $0xb8;
	[tilespmem:$0x1E380] =	vst v63  }
0xa5: {  	_ =	swait.ge [sflag:s25], $0x1C00  }
0xa6: {  	[sflag:s25] =	ssyncset.done $0x0  }
0xa7: {  	s17 =	sadd.s32 $0xEFD0, s11;
	[sflag:s25] =	ssyncadd.s32 $0xFFFFE400  }
0xa8: {  	[spmem:s3] =	stream.indirect.scatter.add.f32 [tilespmem:s21], [sflag:$0x8], $0x40, s17, s19, $0xb8;
	[tilespmem:$0x1E380] =	vst v63  }
0xa9: {  	_ =	swait.ge [sflag:s28], $0x1C00  }
0xaa: {  	[sflag:s28] =	ssyncset.done $0x0  }
0xab: {  	s17 =	sadd.s32 $0xF040, s11;
	[sflag:s28] =	ssyncadd.s32 $0xFFFFE400  }
0xac: {  	[spmem:s3] =	stream.indirect.scatter.add.f32 [tilespmem:s23], [sflag:$0x9], $0x40, s17, s19, $0xb8;
	[tilespmem:$0x1E380] =	vst v63  }
0xad: {  	_ =	swait.ge [sflag:s7], $0x1C00  }
0xae: {  	[sflag:s7] =	ssyncset.done $0x0  }
0xaf: {  	s17 =	sadd.s32 $0xA1F0, s11;
	[sflag:s7] =	ssyncadd.s32 $0xFFFFE400  }
0xb0: {  	[tilespmem:s31], [sflag:$0x4] =	stream.indirect.gather [hbm4b:s2+s19], $0x40, s17, s19, $0xb8;
	[tilespmem:$0x1E380] =	vst v63  }
0xb1: {  	_ =	swait.ge [sflag:s8], $0x1C00  }
0xb2: {  	[sflag:s8] =	ssyncset.done $0x0  }
0xb3: {  	s17 =	sadd.s32 $0xA260, s11;
	[sflag:s8] =	ssyncadd.s32 $0xFFFFE400  }
0xb4: {  	[tilespmem:s20], [sflag:$0x5] =	stream.indirect.gather [hbm4b:s2+s19], $0x40, s17, s19, $0xb8;
	[tilespmem:$0x1E380] =	vst v63  }
0xb5: {  	_ =	swait.ge [sflag:s9], $0x1C00  }
0xb6: {  	[sflag:s9] =	ssyncset.done $0x0  }
0xb7: {  	s17 =	sadd.s32 $0xA2D0, s11;
	[sflag:s9] =	ssyncadd.s32 $0xFFFFE400  }
0xb8: {  	[tilespmem:s26], [sflag:$0x6] =	stream.indirect.gather [hbm4b:s2+s19], $0x40, s17, s19, $0xb8;
	[tilespmem:$0x1E380] =	vst v63  }
0xb9: {  	_ =	swait.ge [sflag:s29], $0x1C00  }
0xba: {  	[sflag:s29] =	ssyncset.done $0x0  }
0xbb: {  	s17 =	sadd.s32 $0xF0B0, s11;
	[sflag:s29] =	ssyncadd.s32 $0xFFFFE400  }
0xbc: {  	[spmem:s3] =	stream.indirect.scatter.add.f32 [tilespmem:s31], [sflag:$0xA], $0x40, s17, s19, $0xb8;
	[tilespmem:$0x1E380] =	vst v63  }
0xbd: {  	_ =	swait.ge [sflag:s0], $0x1C00  }
0xbe: {  	[sflag:s0] =	ssyncset.done $0x0  }
.Ltmp1:
0xbf: {  	s17 =	sadd.s32 $0xF120, s11;
	[sflag:s0] =	ssyncadd.s32 $0xFFFFE400;
	(pc) =	sbr.rel @p0 .LBB2_4-.Ltmp1, $4  }
0xc0: {  	[spmem:s3] =	stream.indirect.scatter.add.f32 [tilespmem:s20], [sflag:$0xB], $0x40, s17, s19, $0xb8;
	[tilespmem:$0x1E380] =	vst v63  }
0xc1: {  	_ =	swait.ge [sflag:s22], $0x1C00  }
0xc2: {  	[sflag:s22] =	ssyncset.done $0x0  }
0xc3: {  	s11 =	sadd.s32 $0xF190, s11;
	[sflag:s22] =	ssyncadd.s32 $0xFFFFE400  }
0xc4: {  	[spmem:s3] =	stream.indirect.scatter.add.f32 [tilespmem:s26], [sflag:$0xC], $0x40, s11, s19, $0xb8;
	[tilespmem:$0x1E380] =	vst v63  }
0xc5: {  	_ =	swait.ge [sflag:s1], $0x1C00  }
0xc6: {  	[sflag:s1] =	ssyncset.done $0x0  }
0xc7: {  	[sflag:s1] =	ssyncadd.s32 $0xFFFFE400  }
0xc8: {  	_ =	swait.ge [sflag:s30], $0x1C00  }
0xc9: {  	[sflag:s30] =	ssyncset.done $0x0  }
0xca: {  	[sflag:s30] =	ssyncadd.s32 $0xFFFFE400  }
0xcb: {  	_ =	swait.ge [sflag:s6], $0x1C00  }
0xcc: {  	[sflag:s6] =	ssyncset.done $0x0  }
0xcd: {  	[sflag:s6] =	ssyncadd.s32 $0xFFFFE400  }
0xce: {  	_ =	swait.ge [sflag:s7], $0x1C00  }
0xcf: {  	[sflag:s7] =	ssyncset.done $0x0  }
0xd0: {  	[sflag:s7] =	ssyncadd.s32 $0xFFFFE400  }
0xd1: {  	_ =	swait.ge [sflag:s8], $0x1C00  }
0xd2: {  	[sflag:s8] =	ssyncset.done $0x0  }
0xd3: {  	[sflag:s8] =	ssyncadd.s32 $0xFFFFE400  }
0xd4: {  	s10 =	stileid.u32;
	_ =	swait.ge [sflag:s9], $0x1C00  }
0xd5: {  	s17 =	sshrl.u32 s5, $0x3;
	s4 =	sadd.s32 $0x1, s4;
	[sflag:s9] =	ssyncset.done $0x0  }
0xd6: {  	s10 =	sshll.u32 s10, $0x6;
	p0 =	sne.s32 s4, s14;
	[sflag:s9] =	ssyncadd.s32 $0xFFFFE400  }
.Ltmp2:
0xd7: {  	s10 =	sor.u32 $0x1C0D, s10;
	[bflag:$0x0] =	sbarrier.arrive $0xFFFF;
	(pc) =	sbr.rel @p0 .LBB2_1-.Ltmp2, $4  }
0xd8: {  	[hbm:s13], [sflag:s10] =	dma.local [spmem:s17], $0x13C0  }
0xd9: {  	_ =	swait.ge [sflag:s16], $0x13C0  }
0xda: {  	[sflag:s16] =	ssyncset.done $0x0  }
0xdb: {  	[sflag:s16] =	ssyncadd.s32 $0xFFFFEC40  }
0xdc: {  	_ =	sfence.sel $0x180000  }
0xdd: {  	[bflag:$0x0] =	sbarrier.arrive $0xFFFF  }
0xde: {  	_ =	strace $0x9000004A  }
0xdf: {  	s0 =	stileid.u32;
	[bflag:$0x2] =	sbarrier.arrive $0xFFFF  }
0xe0: {  	p0 =	sne.s32 s0, $0x0;
	s0 =	rddreg [dreg:$0x3]  }
0xe1: {  	s0 =	sadd.s32 @!p0 $0x100000, s0  }
0xe2: {  	[sflag:s0] =	ssyncadd.tile.s32 @!p0 $0x1;
	_ =	shalt  }
.Lfunc_end2:
_tile_overlayer_lowered:
.L_overlay_start_2:
0xe3: {  	(tag) =	ssettag $0x2  }
0xe4: {  	s0 =	rddreg [dreg:$0x0];
	s2 =	stileid.u32  }
0xe5: {  	s1 =	rddreg [dreg:$0x1];
	p0 =	sne.s32 s2, $0x0  }
0xe6: {  	s3 =	rddreg [dreg:$0x2];
	[bflag:$0x3] =	sbarrier.arrive $0xFFFF;
	s2 =	simm.s32 @!p0 $0x1C0D  }
0xe7: {  	[timem:s3], [sflag:s2] =	dma.local @!p0 [hbm:s0], s1  }
0xe8: {  	s0 =	simm.s32 @!p0 $0xD  }
0xe9: {  	_ =	swait.ge @!p0 [sflag:s0], s1  }
0xea: {  	s1 =	ssub.s32 @!p0 $0x0, s1;
	[sflag:s0] =	ssyncset.done @!p0 $0x0  }
0xeb: {  	[sflag:s0] =	ssyncadd.s32 @!p0 s1  }
0xec: {  	[bflag:$0x3] =	sbarrier.arrive $0xFFFF  }
0xed: {  	_ =	shalt  }

// kernel: kernel.7.cloned.1.call-start
scs
__scs_entry_jumppad:
0x0: {  	(pc) =	sbr.rel $0x88, $3  }
0x1: {  	(tag) =	ssettag $0x0;
	lr =	simm.s32 $0x1  }
0x2: {  	[smem:$0x3F9E] =	sst lr;
	_ =	strace $0xD0000000  }
0x3: {  	_ = 	snop  }
0x4: {  	_ = 	snop  }
0x5: {  	_ = 	snop  }
0x6: {  	_ = 	snop  }
0x7: {  	_ = 	snop  }
__scs_overlays_trampoline_lowered:
0x8: {  	[smem:$0x3FAD] =	sst s0  }
0x9: {  	[smem:$0x3FAE] =	sst s1  }
0xa: {  	[smem:$0x3FAF] =	sst s2  }
0xb: {  	[smem:$0x3FB0] =	sst s3  }
0xc: {  	[smem:$0x3FB1] =	sst s4  }
0xd: {  	[smem:$0x3FB2] =	sst s5  }
0xe: {  	[smem:$0x3FB3] =	sst s6  }
0xf: {  	[smem:$0x3FB4] =	sst s7  }
0x10: {  	[smem:$0x3FB5] =	sst s8  }
0x11: {  	[smem:$0x3FB6] =	sst s9;
	s0 =	simm.s32 @!p0 $0x0  }
0x12: {  	s1 =	sld [smem:$0x3F9C];
	s0 =	simm.s32 @p0 $0x1  }
0x13: {  	[smem:$0x3FB7] =	sst s0;
	s0 =	simm.s32 @!p1 $0x0  }
0x14: {  	s2 =	sld [smem:$0x3F9B];
	s0 =	simm.s32 @p1 $0x1  }
0x15: {  	[smem:$0x3FB8] =	sst s0;
	s0 =	simm.s32 @!p2 $0x0  }
0x16: {  	s3 =	sld [smem:$0x3FDB];
	s0 =	simm.s32 @p2 $0x1  }
0x17: {  	s4 =	simm.s32 $0x1BF5;
	[smem:$0x3FBA] =	sst s0  }
0x18: {  	s0 =	sld [smem:$0x3F9D];
	_ =	swait.ge [sflag:s4], $0x0  }
0x19: {  	s7 =	sld [smem:$0x3F9E]  }
0x1a: {  	s8 =	sadd.s32 $0xFFFFE003, lr  }
0x1b: {  	s9 =	sadd.s32 $0xFFFFFEF7, lr;
	s5 =	simm.s32 $0xFFFFFFFF;
	p2 =	slt.u32 s8, $0xFFFFF086  }
0x1c: {  	p1 =	slt.u32 s9, $0xF7A;
	s5 =	simm.s32 @!p2 $0x0  }
0x1d: {  	s5 =	simm.s32 @p1 $0x1;
	p0 =	seq.s32 s7, s2  }
0x1e: {  	s7 =	smul.u32 @!p0 $0xF7A, s2;
	p2 =	seq.s32 @!p0 s5, $0x0  }
0x1f: {  	s9 =	smul.u32 $0xF7A, s1;
	s8 =	simm.s32 @!p0 $0x1BF5;
	p2 =	por !p2, p0  }
0x20: {  	[sflag:s8] =	ssyncset.s32 @!p0 $0xFFFFF086;
	s6 =	sadd.s32 @!p0 s3, s7;
	s7 =	simm.s32 @!p0 $0x108  }
0x21: {  	s3 =	sadd.s32 s3, s9;
	s6 =	sadd.s32 @!p0 $0x88, s6;
	s7 =	simm.s32 @p2 $0x1082  }
0x22: {  	[simem:s7], [sflag:s8] =	dma.local @!p0 [hbm:s6], $0xF7A  }
0x23: {  	s9 =	sor.u32 $0xD0000000, s2;
	s6 =	simm.s32 $0x108;
	_ =	swait.ge @!p0 [sflag:s8], $0x0  }
0x24: {  	s3 =	sadd.s32 $0x88, s3;
	s6 =	simm.s32 @!p1 $0x1082;
	[sflag:s4] =	ssyncset.s32 $0xFFFFF086  }
0x25: {  	[simem:s6], [sflag:s4] =	dma.local [hbm:s3], $0xF7A  }
0x26: {  	[smem:$0x3F9E] =	sst s1;
	(tag) =	ssettag s2;
	_ =	strace s9  }
0x27: {  	s1 =	sld [smem:$0x3FAE]  }
0x28: {  	s2 =	sld [smem:$0x3FAF]  }
0x29: {  	s4 =	sld [smem:$0x3FB1]  }
0x2a: {  	p0 =	seq.s32 s5, $0x0;
	s5 =	sld [smem:$0x3FB2]  }
0x2b: {  	s6 =	sld [smem:$0x3FB3]  }
0x2c: {  	s7 =	sld [smem:$0x3FB4]  }
0x2d: {  	s3 =	simm.s32 $0x108;
	s8 =	sld [smem:$0x3FB5]  }
0x2e: {  	s3 =	simm.s32 @!p0 $0x1082;
	s9 =	sld [smem:$0x3FB6]  }
0x2f: {  	lr =	sadd.s32 s0, s3;
	s0 =	sld [smem:$0x3FAD]  }
0x30: {  	s3 =	sld [smem:$0x3FB0]  }
0x31: {  	[smem:$0x3FB9] =	sst s10  }
0x32: {  	s10 =	sld [smem:$0x3FB7];
	_ =	sdelay $0x3  }
0x33: {  	p0 =	seq.s32 s10, $0x1;
	s10 =	sld [smem:$0x3FB9];
	_ =	sdelay $0x3  }
0x34: {  	[smem:$0x3FB9] =	sst s10  }
0x35: {  	s10 =	sld [smem:$0x3FB8];
	_ =	sdelay $0x3  }
0x36: {  	p1 =	seq.s32 s10, $0x1;
	s10 =	sld [smem:$0x3FB9];
	_ =	sdelay $0x3  }
0x37: {  	[smem:$0x3FB9] =	sst s10  }
0x38: {  	s10 =	sld [smem:$0x3FBA]  }
0x39: {  	_ = 	snop;
	(pc) =	sbr.ind lr, $3  }
0x3a: {  	_ = 	snop  }
0x3b: {  	_ = 	snop  }
0x3c: {  	p2 =	seq.s32 s10, $0x1;
	s10 =	sld [smem:$0x3FB9]  }
0x3d: {  	_ =	shalt  }
0x3e: {  	_ =	shalt  }
0x3f: {  	_ =	shalt  }
0x40: {  	_ =	shalt  }
0x41: {  	_ =	shalt  }
0x42: {  	_ =	shalt  }
0x43: {  	_ =	shalt  }
0x44: {  	_ =	shalt  }
0x45: {  	_ =	shalt  }
0x46: {  	_ =	shalt  }
0x47: {  	_ =	shalt  }
0x48: {  	_ =	shalt  }
0x49: {  	_ =	shalt  }
0x4a: {  	_ =	shalt  }
0x4b: {  	_ =	shalt  }
0x4c: {  	_ =	shalt  }
0x4d: {  	_ =	shalt  }
0x4e: {  	_ =	shalt  }
0x4f: {  	_ =	shalt  }
0x50: {  	_ =	shalt  }
0x51: {  	_ =	shalt  }
0x52: {  	_ =	shalt  }
0x53: {  	_ =	shalt  }
0x54: {  	_ =	shalt  }
0x55: {  	_ =	shalt  }
0x56: {  	_ =	shalt  }
0x57: {  	_ =	shalt  }
0x58: {  	_ =	shalt  }
0x59: {  	_ =	shalt  }
0x5a: {  	_ =	shalt  }
0x5b: {  	_ =	shalt  }
0x5c: {  	_ =	shalt  }
0x5d: {  	_ =	shalt  }
0x5e: {  	_ =	shalt  }
0x5f: {  	_ =	shalt  }
0x60: {  	_ =	shalt  }
0x61: {  	_ =	shalt  }
0x62: {  	_ =	shalt  }
0x63: {  	_ =	shalt  }
0x64: {  	_ =	shalt  }
0x65: {  	_ =	shalt  }
0x66: {  	_ =	shalt  }
0x67: {  	_ =	shalt  }
0x68: {  	_ =	shalt  }
0x69: {  	_ =	shalt  }
0x6a: {  	_ =	shalt  }
0x6b: {  	_ =	shalt  }
0x6c: {  	_ =	shalt  }
0x6d: {  	_ =	shalt  }
0x6e: {  	_ =	shalt  }
0x6f: {  	_ =	shalt  }
0x70: {  	_ =	shalt  }
0x71: {  	_ =	shalt  }
0x72: {  	_ =	shalt  }
0x73: {  	_ =	shalt  }
0x74: {  	_ =	shalt  }
0x75: {  	_ =	shalt  }
0x76: {  	_ =	shalt  }
0x77: {  	_ =	shalt  }
0x78: {  	_ =	shalt  }
0x79: {  	_ =	shalt  }
0x7a: {  	_ =	shalt  }
0x7b: {  	_ =	shalt  }
0x7c: {  	_ =	shalt  }
0x7d: {  	_ =	shalt  }
0x7e: {  	_ =	shalt  }
0x7f: {  	_ =	shalt  }
0x80: {  	_ =	shalt  }
0x81: {  	_ =	shalt  }
0x82: {  	_ =	shalt  }
0x83: {  	_ =	shalt  }
0x84: {  	_ =	shalt  }
0x85: {  	_ =	shalt  }
0x86: {  	_ =	shalt  }
0x87: {  	_ =	shalt  }
.Lfunc_end0:
.L_simem_size_0:
called_computation_lowered:
.L_overlay_start_0:
0x88: {  	s2 =	sld [smem:$0x3FD9]  }
0x89: {  	s3 =	sld [smem:$0x3FFE];
	_ =	sdelay $0x1  }
0x8a: {  	s1 =	srdreg.scid  }
0x8b: {  	s0 =	sand.u32 $0x1, s1  }
0x8c: {  	s17 =	sshll.u32 s0, $0xA;
	s2 =	sadd.s32 s3, s2  }
0x8d: {  	s2 =	sadd.s32 s2, s17  }
0x8e: {  	[smem:$0x3FC5] =	sst s2  }
0x8f: {  	_ = 	snop  }
0x90: {  	s2 =	sld [smem:$0x3FD0];
	(tm) =	ssettm $0x1  }
0x91: {  	s18 =	sld [smem:$0x3FFB];
	_ =	sdelay $0x3  }
0x92: {  	_ =	strace s18  }
0x93: {  	s3 =	sld [smem:$0x3FFC];
	_ =	sdelay $0x3  }
0x94: {  	_ =	strace s3  }
0x95: {  	s3 =	sld [smem:$0x3FFD];
	_ =	sdelay $0x3  }
0x96: {  	_ =	strace s3  }
0x97: {  	_ =	strace $0x8FFFFFFF  }
0x98: {  	s19 =	sld [smem:$0x3FDB];
	_ =	sdelay $0x1  }
0x99: {  	s4 =	simm.s32 $_scs_section_size  }
0x9a: {  	s5 =	simm.s32 $_size__tile_overlayer_lowered;
	s6 =	simm.s32 $_tile_overlayer_lowered  }
0x9b: {  	s22 =	simm.s32 $0x1BFF;
	s21 =	sshll.u32 s6, $0x1;
	s3 =	sadd.s32 s4, s19  }
0x9c: {  	s7 =	simm.s32 $0x0;
	s20 =	sshll.u32 s5, $0x1;
	s5 =	sadd.s32 s21, s3  }
0x9d: {  	[timem:s7], [sflag:s22] =	dma.local [hbm:s5], s20  }
0x9e: {  	_ =	swait.ge [sflag:s22], s20  }
0x9f: {  	s4 =	ssub.s32 $0x0, s20;
	[sflag:s22] =	ssyncset.done $0x0  }
0xa0: {  	[sflag:s22] =	ssyncadd.s32 s4;
	_ =	sdelay $0x1  }
0xa1: {  	s23 =	simm.s32 $0x1B8B  }
0xa2: {  	_ =	swait.ge [sflag:s23], $0x1  }
0xa3: {  	[sflag:s23] =	ssyncset.done $0x0  }
0xa4: {  	s25 =	simm.s32 $0x1B8E;
	s24 =	sld [smem:$0x3FFE];
	[sflag:s23] =	ssyncadd.s32 $0xFFFFFFFF  }
0xa5: {  	s26 =	simm.s32 $execute0_lowered;
	[smem:$0x3FD2] =	sst s25  }
0xa6: {  	s5 =	sshll.u32 s26, $0x1;
	_ =	strace $0x80000046;
	[dreg:$0x1] =	wrdreg $0xFFFFFFFF  }
0xa7: {  	s28 =	simm.s32 $_size_execute0_lowered;
	s3 =	sadd.s32 s3, s5;
	[dreg:$0x0] =	wrdreg $0x0  }
0xa8: {  	s5 =	sshll.u32 s28, $0x1;
	[dreg:$0x2] =	wrdreg s3  }
0xa9: {  	[dreg:$0x3] =	wrdreg s5  }
0xaa: {  	[dreg:$0x4] =	wrdreg $0xC0  }
0xab: {  	_ =	task [dreg:s7], $0x5FFFF  }
0xac: {  	[dreg:$0x1] =	wrdreg $0xFFFFFFFF  }
0xad: {  	[dreg:$0x0] =	wrdreg $0x60  }
0xae: {  	[dreg:$0x2] =	wrdreg s2  }
0xaf: {  	[dreg:$0x3] =	wrdreg s24  }
0xb0: {  	[dreg:$0x4] =	wrdreg $0x0  }
0xb1: {  	[dreg:$0x5] =	wrdreg $0x9  }
0xb2: {  	_ =	task.clear_ibuf [dreg:s7], $0x6FFFF;
	_ =	strace $0x90000046  }
0xb3: {  	s29 =	simm.s32 $0x9;
	_ =	strace $0x80000048  }
0xb4: {  	_ =	swait.ge [sflag:s29], $0x1  }
0xb5: {  	[sflag:s29] =	ssyncadd.s32 $0xFFFFFFFF  }
0xb6: {  	_ =	strace $0x90000048  }
0xb7: {  	_ =	sfence  }
0xb8: {  	s30 =	sld [smem:$0x0];
	_ =	sdelay $0x2  }
0xb9: {  	s31 =	sshll.u32 s1, $0xD;
	s1 =	sshrl.u32 s1, $0x2  }
0xba: {  	s3 =	sand.u32 $0x4000, s31;
	s1 =	sadd.s32 s1, s30  }
0xbb: {  	s0 =	sor.u32 s3, s0;
	s1 =	sshll.u32 s1, $0x11  }
0xbc: {  	s0 =	sor.u32 s1, s0  }
0xbd: {  	s0 =	sadd.s32 $0x8F2B, s0  }
0xbe: {  	[sflag:s0] =	ssyncadd.remote.s32 $0x1  }
0xbf: {  	_ =	sfence.sel $0xFFFF  }
0xc0: {  	[dreg:$0x0] =	wrdreg $0xFFFFFFFF;
	(pc) =	sbr.abs _section_cstart, $3  }
0xc1: {  	[dreg:$0x1] =	wrdreg $0xFFFFFFFF  }
0xc2: {  	_ =	task.clear_ibuf [dreg:s7], $0x2FFFF;
	_ =	strace $0x9FFFFFFF  }
0xc3: {  	(tm) =	ssettm $0x7FFFFFFF  }
tec
execute0_lowered:
.L_overlay_start_1:
0x0: {  	(tag) =	ssettag $0x1  }
0x1: {  	s10 =	rddreg [dreg:$0x0];
	s1 =	srdreg.scid  }
0x2: {  	s0 =	stileid.u32;
	s5 =	rddreg [dreg:$0x1]  }
0x3: {  	s2 =	rddreg [dreg:$0x2];
	s3 =	simm.s32 $0x0;
	s14 =	simm.s32 $0x3  }
0x4: {  	s15 =	simm.s32 $0x2780;
	s16 =	simm.s32 $0x3780;
	s17 =	simm.s32 $0x80  }
0x5: {  	s18 =	simm.s32 $0x3800;
	s19 =	simm.s32 $0x1;
	s20 =	simm.s32 $0x2  }
0x6: {  	s6 =	sand.u32 $0x1, s1;
	s4 =	smul.u32 $0x4F0, s0;
	s1 =	rddreg [dreg:$0x3]  }
0x7: {  	s23 =	simm.s32 $0x0;
	[smem:$0x7FF] =	sst s3;
	s8 =	smul.u32 $0x9E00, s0  }
0x8: {  	s31 =	sshll.u32 s0, $0x1;
	s21 =	sshll.u32 s0, $0x6;
	s7 =	smul.u32 $0x4F00, s6  }
0x9: {  	_ =	strace $0x80000047;
	s30 =	ssub.s32 $0x2, s6;
	s12 =	sor.u32 s6, s31  }
0xa: {  	s21 =	sor.u32 $0x1C03, s21;
	s8 =	sshrl.u32 s8, $0x2;
	s9 =	sshrl.u32 s30, $0x1  }
0xb: {  	s12 =	smul.u32 $0x500, s12;
	s7 =	sadd.s32 s4, s7;
	s4 =	sadd.s32 $0x1800, s5  }
0xc: {  	s13 =	ssub.s32 s30, s9;
	s11 =	sadd.s32 s7, s5;
	s5 =	sadd.s32 s8, s2  }
0xd: {  	s10 =	sadd.s32 s10, s12;
	s12 =	smax.u32 s13, $0x1;
	s13 =	simm.s32 $0x2F80  }
0xe: {  	s6 =	sadd.s32 $0x800, s5;
	s7 =	sadd.s32 $0x1000, s5;
	s8 =	sadd.s32 $0x1800, s5  }
0xf: {  	v0 =	vimm.f32 $0.0e+00;
	s9 =	sadd.s32 $0x2000, s5;
	s11 =	sadd.s32 $0x1A00, s11;
	s22 =	sshrl.u32 s5, $0x3  }
.LBB2_1:
0x10: {  	s24 =	simm.s32 $0x40;
	s25 =	simm.s32 $0x0  }
.LBB2_2:
0x11: {  	p0 =	sne.s32 s24, $0x1FC0;
	[tilespmem:s25+$0x2F80] =	vst v0;
	s25 =	smov.u32 s24;
	s24 =	sadd.s32 $0x40, s24  }
.Ltmp0:
0x12: {  	(pc) =	sbr.rel @p0 .LBB2_2-.Ltmp0, $2  }
0x13: {  	_ =	sdelay $0x2  }
0x14: {  	s25 =	sshra.s32 s25, $0x2  }
0x15: {  	[tilespmem:s25+$0x2F80] =	vst v0  }
0x16: {  	[spmem:s5] =	stream.linear.scatter [tilespmem:s13], [sflag:$0x3], $0x800, $0x38;
	[tilespmem:$0x5F80] =	vst v63  }
0x17: {  	_ =	swait.ge [sflag:s14], $0x800  }
0x18: {  	[sflag:s14] =	ssyncset.done $0x0  }
0x19: {  	[sflag:s14] =	ssyncadd.s32 $0xFFFFF800  }
0x1a: {  	[spmem:s6] =	stream.linear.scatter [tilespmem:s13], [sflag:$0x3], $0x800, $0x38;
	[tilespmem:$0x5F80] =	vst v63  }
0x1b: {  	_ =	swait.ge [sflag:s14], $0x800  }
0x1c: {  	[sflag:s14] =	ssyncset.done $0x0  }
0x1d: {  	[sflag:s14] =	ssyncadd.s32 $0xFFFFF800  }
0x1e: {  	[spmem:s7] =	stream.linear.scatter [tilespmem:s13], [sflag:$0x3], $0x800, $0x38;
	[tilespmem:$0x5F80] =	vst v63  }
0x1f: {  	_ =	swait.ge [sflag:s14], $0x800  }
0x20: {  	[sflag:s14] =	ssyncset.done $0x0  }
0x21: {  	[sflag:s14] =	ssyncadd.s32 $0xFFFFF800  }
0x22: {  	[spmem:s8] =	stream.linear.scatter [tilespmem:s13], [sflag:$0x3], $0x800, $0x38;
	[tilespmem:$0x5F80] =	vst v63  }
0x23: {  	_ =	swait.ge [sflag:s14], $0x800  }
0x24: {  	[sflag:s14] =	ssyncset.done $0x0  }
0x25: {  	[sflag:s14] =	ssyncadd.s32 $0xFFFFF800  }
0x26: {  	[spmem:s9] =	stream.linear.scatter [tilespmem:s13], [sflag:$0x3], $0x780, $0x38;
	[tilespmem:$0x5F80] =	vst v63  }
0x27: {  	_ =	swait.ge [sflag:s14], $0x780  }
0x28: {  	[sflag:s14] =	ssyncset.done $0x0  }
0x29: {  	[sflag:s14] =	ssyncadd.s32 $0xFFFFF880  }
0x2a: {  	[tilespmem:s15], [sflag:$0x3] =	stream.linear.gather [hbm4b:s4+s3], $0x800, $0x38;
	[tilespmem:$0x5F80] =	vst v63  }
0x2b: {  	_ =	swait.ge [sflag:s14], $0x800  }
0x2c: {  	[sflag:s14] =	ssyncset.done $0x0  }
0x2d: {  	[sflag:s14] =	ssyncadd.s32 $0xFFFFF800  }
0x2e: {  	[tilespmem:s16], [sflag:$0x3] =	stream.linear.gather [hbm4b:s10+s3], $0x2800, $0x38;
	[tilespmem:$0x5F80] =	vst v63  }
0x2f: {  	_ =	swait.ge [sflag:s14], $0x2800  }
0x30: {  	[sflag:s14] =	ssyncset.done $0x0  }
0x31: {  	[sflag:s14] =	ssyncadd.s32 $0xFFFFD800  }
0x32: {  	[bflag:$0x0] =	sbarrier.arrive $0xFFFF  }
0x33: {  	[spmem:s2] =	stream.indirect.scatter.add.f32 [tilespmem:s15], [sflag:$0x1], $0x10, s16, s17, $0xb8;
	[tilespmem:$0x5F80] =	vst v63  }
0x34: {  	_ = 	snop  }
0x35: {  	[spmem:s2] =	stream.indirect.scatter.add.f32 [tilespmem:s15], [sflag:$0x2], $0x10, s18, s17, $0xb8;
	[tilespmem:$0x5F80] =	vst v63  }
0x36: {  	_ =	swait.ge [sflag:s19], $0x800  }
0x37: {  	[sflag:s19] =	ssyncset.done $0x0  }
0x38: {  	s24 =	simm.s32 $0x3880;
	[sflag:s19] =	ssyncadd.s32 $0xFFFFF800  }
0x39: {  	[spmem:s2] =	stream.indirect.scatter.add.f32 [tilespmem:s15], [sflag:$0x1], $0x10, s24, s17, $0xb8;
	[tilespmem:$0x5F80] =	vst v63  }
0x3a: {  	_ =	swait.ge [sflag:s20], $0x800  }
0x3b: {  	[sflag:s20] =	ssyncset.done $0x0  }
0x3c: {  	s25 =	simm.s32 $0x3900;
	s24 =	simm.s32 $0xFFFF6800;
	[sflag:s20] =	ssyncadd.s32 $0xFFFFF800  }
.LBB2_4:
0x3d: {  	[spmem:s2] =	stream.indirect.scatter.add.f32 [tilespmem:s15], [sflag:$0x2], $0x10, s25, s17, $0xb8;
	[tilespmem:$0x5F80] =	vst v63  }
0x3e: {  	s25 =	smov.u32 s24  }
0x3f: {  	p0 =	sne.s32 s24, $0xFFFFFC00;
	s24 =	sadd.s32 $0x400, s24;
	_ =	swait.ge [sflag:s19], $0x800  }
0x40: {  	s25 =	sshra.s32 s25, $0x2;
	[sflag:s19] =	ssyncset.done $0x0  }
.Ltmp1:
0x41: {  	s26 =	sadd.s32 $0x5F80, s25;
	[sflag:s19] =	ssyncadd.s32 $0xFFFFF800;
	(pc) =	sbr.rel @p0 .LBB2_4-.Ltmp1, $4  }
0x42: {  	[spmem:s2] =	stream.indirect.scatter.add.f32 [tilespmem:s15], [sflag:$0x1], $0x10, s26, s17, $0xb8;
	[tilespmem:$0x5F80] =	vst v63  }
0x43: {  	_ =	swait.ge [sflag:s20], $0x800  }
0x44: {  	[sflag:s20] =	ssyncset.done $0x0  }
0x45: {  	s25 =	sadd.s32 $0x6000, s25;
	[sflag:s20] =	ssyncadd.s32 $0xFFFFF800  }
0x46: {  	[spmem:s2] =	stream.indirect.scatter.add.f32 [tilespmem:s15], [sflag:$0x2], $0x10, s25, s17, $0xb8;
	[tilespmem:$0x5F80] =	vst v63  }
0x47: {  	_ =	swait.ge [sflag:s19], $0x800  }
0x48: {  	[sflag:s19] =	ssyncset.done $0x0  }
0x49: {  	[sflag:s19] =	ssyncadd.s32 $0xFFFFF800  }
0x4a: {  	_ =	swait.ge [sflag:s20], $0x800  }
0x4b: {  	s23 =	sadd.s32 $0x1, s23;
	[sflag:s20] =	ssyncset.done $0x0  }
0x4c: {  	p0 =	sne.s32 s23, s12;
	[sflag:s20] =	ssyncadd.s32 $0xFFFFF800  }
.Ltmp2:
0x4d: {  	[bflag:$0x0] =	sbarrier.arrive $0xFFFF;
	(pc) =	sbr.rel @p0 .LBB2_1-.Ltmp2, $4  }
0x4e: {  	[hbm:s11], [sflag:s21] =	dma.local [spmem:s22], $0x4F0  }
0x4f: {  	_ =	swait.ge [sflag:s14], $0x4F0  }
0x50: {  	[sflag:s14] =	ssyncset.done $0x0  }
0x51: {  	[sflag:s14] =	ssyncadd.s32 $0xFFFFFB10  }
0x52: {  	_ =	sfence.sel $0x180000  }
0x53: {  	[bflag:$0x0] =	sbarrier.arrive $0xFFFF  }
0x54: {  	p0 =	sne.s32 s0, $0x0;
	_ =	strace $0x90000047  }
0x55: {  	s0 =	sadd.s32 @!p0 $0x100000, s1;
	[bflag:$0x2] =	sbarrier.arrive $0xFFFF  }
0x56: {  	[sflag:s0] =	ssyncadd.tile.s32 @!p0 $0x1;
	_ =	shalt  }
.Lfunc_end2:
_tile_overlayer_lowered:
.L_overlay_start_2:
0x57: {  	(tag) =	ssettag $0x2  }
0x58: {  	s0 =	rddreg [dreg:$0x0];
	s2 =	stileid.u32  }
0x59: {  	s1 =	rddreg [dreg:$0x1];
	p0 =	sne.s32 s2, $0x0  }
0x5a: {  	s3 =	rddreg [dreg:$0x2];
	[bflag:$0x3] =	sbarrier.arrive $0xFFFF;
	s2 =	simm.s32 @!p0 $0x1C03  }
0x5b: {  	[timem:s3], [sflag:s2] =	dma.local @!p0 [hbm:s0], s1  }
0x5c: {  	s0 =	simm.s32 @!p0 $0x3  }
0x5d: {  	_ =	swait.ge @!p0 [sflag:s0], s1  }
0x5e: {  	s1 =	ssub.s32 @!p0 $0x0, s1;
	[sflag:s0] =	ssyncset.done @!p0 $0x0  }
0x5f: {  	[sflag:s0] =	ssyncadd.s32 @!p0 s1  }
0x60: {  	[bflag:$0x3] =	sbarrier.arrive $0xFFFF  }
0x61: {  	_ =	shalt  }

</sc_bundles>
